<compile_context>
chip_gen: v7x
topology: tpu7x:2x2x1
jax: 0.10.2.dev20260603
libtpu: 0.0.44.dev20260713+nightly
codegen_flags: <defaults>
</compile_context>

<pallas_src>
import functools

import jax
import jax.numpy as jnp
from jax import lax
from jax.experimental import pallas as pl
from jax.experimental.pallas import tpu as pltpu
from jax.experimental.pallas import tpu_sc as plsc

N = 10000
E = 320000
D = 128
DW3 = 16
NC = 2
NS = 16
NW = NC * NS
EPW = E // NW
C = 80
NCH = EPW // C
NP = 10240
NPT = NP // NS
BN = 2000


def _scatter_body(g_hbm, src_hbm, dst_hbm, zeros_hbm, out_hbm,
                  srcv, dstv, rows, acc, sem):
    c = lax.axis_index("c")
    s = lax.axis_index("s")
    w = c * NS + s
    pltpu.sync_copy(zeros_hbm, acc.at[pl.ds(s * NPT, NPT)])
    pltpu.sync_copy(src_hbm.at[w], srcv)
    pltpu.sync_copy(dst_hbm.at[w], dstv)
    plsc.subcore_barrier()

    def chunk(i, _):
        pltpu.async_copy(g_hbm.at[srcv.at[i]], rows, sem).wait()
        pltpu.sync_copy(rows, acc.at[dstv.at[i]], add=True)
        return 0

    lax.fori_loop(0, NCH, chunk, 0)
    plsc.subcore_barrier()
    pltpu.sync_copy(acc.at[pl.ds(s * NPT, NPT)],
                    out_hbm.at[pl.ds(c * NP + s * NPT, NPT)])


def _make_scatter(dp):
    mesh = plsc.VectorSubcoreMesh(core_axis_name="c", subcore_axis_name="s")
    return pl.kernel(
        _scatter_body,
        out_type=jax.ShapeDtypeStruct((2 * NP, dp), jnp.float32),
        mesh=mesh,
        scratch_types=[
            pltpu.VMEM((NCH, C), jnp.int32),
            pltpu.VMEM((NCH, C), jnp.int32),
            pltpu.VMEM((C, dp), jnp.float32),
            pltpu.VMEM_SHARED((NP, dp), jnp.float32),
            pltpu.SemaphoreType.DMA,
        ],
        compiler_params=pltpu.CompilerParams(use_tc_tiling_on_sc=False),
    )


_scatter128 = _make_scatter(D)
_scatter16 = _make_scatter(DW3)


def _deg_body(dst_hbm, ones_hbm, zeros_hbm, out_hbm, dstv, onesv, acc):
    c = lax.axis_index("c")
    s = lax.axis_index("s")
    w = c * NS + s
    pltpu.sync_copy(zeros_hbm, acc.at[pl.ds(s * NPT, NPT)])
    pltpu.sync_copy(dst_hbm.at[w], dstv)
    pltpu.sync_copy(ones_hbm, onesv)
    plsc.subcore_barrier()

    def chunk(i, _):
        pltpu.sync_copy(onesv, acc.at[dstv.at[i]], add=True)
        return 0

    lax.fori_loop(0, NCH, chunk, 0)
    plsc.subcore_barrier()
    pltpu.sync_copy(acc.at[pl.ds(s * NPT, NPT)],
                    out_hbm.at[pl.ds(c * NP + s * NPT, NPT)])


_deg_scatter = pl.kernel(
    _deg_body,
    out_type=jax.ShapeDtypeStruct((2 * NP, DW3), jnp.float32),
    mesh=plsc.VectorSubcoreMesh(core_axis_name="c", subcore_axis_name="s"),
    scratch_types=[
        pltpu.VMEM((NCH, C), jnp.int32),
        pltpu.VMEM((C, DW3), jnp.float32),
        pltpu.VMEM_SHARED((NP, DW3), jnp.float32),
    ],
    compiler_params=pltpu.CompilerParams(use_tc_tiling_on_sc=False),
)



def _dinv_body(da_ref, db_ref, t_ref, o_ref):
    deg = da_ref[...] + db_ref[...] + 1.0
    o_ref[...] = jnp.dot(lax.rsqrt(deg), t_ref[...],
                         preferred_element_type=jnp.float32)


def _dinv_kernel(deg_a8, deg_b8, t):
    return pl.pallas_call(
        _dinv_body,
        out_shape=jax.ShapeDtypeStruct((N // 8, 8 * D), jnp.float32),
    )(deg_a8, deg_b8, t)


def _mm1_body(x_ref, w_ref, dv_ref, o_ref):
    o_ref[...] = jnp.dot(x_ref[...], w_ref[...],
                         preferred_element_type=jnp.float32) * dv_ref[...]


def _mm1(x, w1, dinv):
    return pl.pallas_call(
        _mm1_body,
        grid=(N // BN,),
        in_specs=[
            pl.BlockSpec((BN, D), lambda i: (i, 0)),
            pl.BlockSpec((D, D), lambda i: (0, 0)),
            pl.BlockSpec((BN, D), lambda i: (i, 0)),
        ],
        out_specs=pl.BlockSpec((BN, D), lambda i: (i, 0)),
        out_shape=jax.ShapeDtypeStruct((N, D), jnp.float32),
    )(x, w1, dinv)


def _mm_mid_body(aa_ref, ab_ref, g_ref, dv_ref, b_ref, w_ref, dvo_ref, o_ref):
    t = (aa_ref[...] + ab_ref[...] + g_ref[...]) * dv_ref[...] + b_ref[...]
    t = jnp.maximum(t, 0.0)
    o_ref[...] = jnp.dot(t, w_ref[...],
                         preferred_element_type=jnp.float32) * dvo_ref[...]


def _mm_mid(agg_a, agg_b, g, dinv, b, w, dinv_out):
    dw = w.shape[1]
    return pl.pallas_call(
        _mm_mid_body,
        grid=(N // BN,),
        in_specs=[
            pl.BlockSpec((BN, D), lambda i: (i, 0)),
            pl.BlockSpec((BN, D), lambda i: (i, 0)),
            pl.BlockSpec((BN, D), lambda i: (i, 0)),
            pl.BlockSpec((BN, D), lambda i: (i, 0)),
            pl.BlockSpec((1, D), lambda i: (0, 0)),
            pl.BlockSpec((D, dw), lambda i: (0, 0)),
            pl.BlockSpec((BN, dw), lambda i: (i, 0)),
        ],
        out_specs=pl.BlockSpec((BN, dw), lambda i: (i, 0)),
        out_shape=jax.ShapeDtypeStruct((N, dw), jnp.float32),
    )(agg_a, agg_b, g, dinv, b, w, dinv_out)


def _combine_body(aa_ref, ab_ref, g_ref, dv_ref, b_ref, o_ref):
    o_ref[...] = (aa_ref[...] + ab_ref[...] + g_ref[...]) * dv_ref[...] \
        + b_ref[...]


def _combine(agg_a, agg_b, g, dinv16, b3p):
    return pl.pallas_call(
        _combine_body,
        grid=(N // BN,),
        in_specs=[
            pl.BlockSpec((BN, DW3), lambda i: (i, 0)),
            pl.BlockSpec((BN, DW3), lambda i: (i, 0)),
            pl.BlockSpec((BN, DW3), lambda i: (i, 0)),
            pl.BlockSpec((BN, DW3), lambda i: (i, 0)),
            pl.BlockSpec((1, DW3), lambda i: (0, 0)),
        ],
        out_specs=pl.BlockSpec((BN, DW3), lambda i: (i, 0)),
        out_shape=jax.ShapeDtypeStruct((N, DW3), jnp.float32),
    )(agg_a, agg_b, g, dinv16, b3p)


def kernel(x, edge_index, W1, b1, W2, b2, W3, b3):
    src = edge_index[0].reshape(NW, NCH, C)
    dst = edge_index[1].reshape(NW, NCH, C)
    zeros128 = jnp.zeros((NPT, D), jnp.float32)
    zeros16 = jnp.zeros((NPT, DW3), jnp.float32)
    ones16 = jnp.ones((C, DW3), jnp.float32)

    deg2 = _deg_scatter(dst, ones16, zeros16)
    deg_a8 = deg2[:N].reshape(N // 8, 8 * DW3)
    deg_b8 = deg2[NP:NP + N].reshape(N // 8, 8 * DW3)
    col = jnp.arange(8 * D, dtype=jnp.int32) // D
    t = (jnp.arange(D, dtype=jnp.int32)[:, None] == DW3 * col[None, :])
    t = t.astype(jnp.float32)
    dinv = _dinv_kernel(deg_a8, deg_b8, t).reshape(N, D)
    dinv16 = dinv[:, :DW3]

    g1 = _mm1(x, W1, dinv)
    a1 = _scatter128(g1, src, dst, zeros128)
    g2 = _mm_mid(a1[:N], a1[NP:NP + N], g1, dinv, b1.reshape(1, D), W2, dinv)
    a2 = _scatter128(g2, src, dst, zeros128)
    w3p = jnp.zeros((D, DW3), jnp.float32).at[:, :5].set(W3)
    g3 = _mm_mid(a2[:N], a2[NP:NP + N], g2, dinv, b2.reshape(1, D), w3p, dinv16)
    a3 = _scatter16(g3, src, dst, zeros16)
    b3p = jnp.zeros((1, DW3), jnp.float32).at[0, :5].set(b3)
    out16 = _combine(a3[:N], a3[NP:NP + N], g3, dinv16, b3p)
    return out16[:, :5]

# --- scband reference (transcript-rebuilt; emitter-appended) ---
"""Pipeline reference for scband-gcnmodel-9156870275646 (READ-ONLY COPY).

The authoritative reference and input builder live on the scoring server;
editing this copy changes nothing except your own understanding.
"""

import jax, jax.numpy as jnp
import numpy as np

N = 10000
E = 320000
D_IN = 128
D_H = 128
D_OUT = 5


def setup_inputs(seed: int = 0) -> dict:
    key = jax.random.key(seed)
    ks = jax.random.split(key, 8)
    x = jax.random.normal(ks[0], (N, D_IN), dtype=jnp.float32)
    edge_index = jax.random.randint(ks[1], (2, E), 0, N, dtype=jnp.int32)
    W1 = jax.random.normal(ks[2], (D_IN, D_H), dtype=jnp.float32) * (1.0 / np.sqrt(D_IN))
    b1 = jnp.zeros((D_H,), dtype=jnp.float32)
    W2 = jax.random.normal(ks[3], (D_H, D_H), dtype=jnp.float32) * (1.0 / np.sqrt(D_H))
    b2 = jnp.zeros((D_H,), dtype=jnp.float32)
    W3 = jax.random.normal(ks[4], (D_H, D_OUT), dtype=jnp.float32) * (1.0 / np.sqrt(D_H))
    b3 = jnp.zeros((D_OUT,), dtype=jnp.float32)
    return {"x": x, "edge_index": edge_index, "W1": W1, "b1": b1, "W2": W2, "b2": b2, "W3": W3, "b3": b3}


def _gcn_conv(x, W, b, edge_index, num_nodes):
    # PyG GCNConv: linear transform, then propagate with sym-normalized adj (+self loops), then bias
    h = x @ W
    src = edge_index[0]
    dst = edge_index[1]
    loop = jnp.arange(num_nodes, dtype=src.dtype)
    src = jnp.concatenate([src, loop])
    dst = jnp.concatenate([dst, loop])
    deg = jax.ops.segment_sum(jnp.ones_like(dst, dtype=h.dtype), dst, num_segments=num_nodes)
    dinv = jnp.where(deg > 0, jax.lax.rsqrt(jnp.maximum(deg, 1e-12)), 0.0)
    norm = dinv[src] * dinv[dst]
    msg = h[src] * norm[:, None]
    out = jax.ops.segment_sum(msg, dst, num_segments=num_nodes)
    return out + b


def reference(x, edge_index, W1, b1, W2, b2, W3, b3):
    # eval mode: dropout is identity
    h = _gcn_conv(x, W1, b1, edge_index, N)
    h = jax.nn.relu(h)
    h = _gcn_conv(h, W2, b2, edge_index, N)
    h = jax.nn.relu(h)
    out = _gcn_conv(h, W3, b3, edge_index, N)
    return out

if __name__ == "__main__":
    import jax
    _d = setup_inputs()
    print(jax.jit(kernel)(*tuple(_d.values())))

</pallas_src>

<mosaic_0001>
#map = affine_map<(d0, d1) -> (0, 0)>
#map1 = affine_map<(d0, d1) -> (0, 0, 0)>
module attributes {stable_mosaic.version = 14 : i64} {
  func.func @_scatter_body(%arg0: i32, %arg1: i32, %arg2: memref<10000x16xf32, #tpu.memory_space<hbm>>, %arg3: memref<32x125x80xi32, #tpu.memory_space<hbm>>, %arg4: memref<32x125x80xi32, #tpu.memory_space<hbm>>, %arg5: memref<640x16xf32, #tpu.memory_space<hbm>>, %arg6: memref<20480x16xf32, #tpu.memory_space<hbm>>, %arg7: memref<125x80xi32, #tpu.memory_space<vmem>>, %arg8: memref<125x80xi32, #tpu.memory_space<vmem>>, %arg9: memref<80x16xf32, #tpu.memory_space<vmem>>, %arg10: memref<10240x16xf32, #tpu.memory_space<vmem_shared>>, %arg11: memref<!tpu.dma_semaphore, #tpu.memory_space<semaphore_mem>>) attributes {dimension_semantics = [#tpu.dimension_semantics<core_parallel>, #tpu.dimension_semantics<subcore_parallel>], iteration_bounds = array<i64: 2, 16>, scalar_prefetch = 0 : i64, scratch_operands = 5 : i64, tpu.core_type = #tpu.core_type<sc_vector_subcore>, window_params = [{transform_indices = #map}, {transform_indices = #map1}, {transform_indices = #map1}, {transform_indices = #map}, {transform_indices = #map}]} {
    %mul3A = arith.constant 16 : i32
    %mul3A_0 = arith.muli %arg0, %mul3A : i32
    %add3A = arith.addi %mul3A_0, %arg1 : i32
    %mul3A_1 = arith.constant 640 : i32
    %mul3A_2 = arith.muli %arg1, %mul3A_1 : i32
    "tpu.region"() ({
      %run_scoped3A = tpu.sem_alloc : memref<!tpu.dma_semaphore, #tpu.memory_space<semaphore_mem>>
      %dma_start3A = arith.constant 0 : i32
      %dma_start3A_17 = tpu.memref_slice %arg10[%mul3A_2, %dma_start3A] : memref<10240x16xf32, #tpu.memory_space<vmem_shared>> -> memref<640x16xf32, #tpu.memory_space<vmem_shared>>
      tpu.enqueue_dma source(%arg5 : memref<640x16xf32, #tpu.memory_space<hbm>>) target(%dma_start3A_17 : memref<640x16xf32, #tpu.memory_space<vmem_shared>>) target_semaphore(%run_scoped3A : memref<!tpu.dma_semaphore, #tpu.memory_space<semaphore_mem>>)
      %dma_wait3A = arith.constant 0 : i32
      %dma_wait3A_18 = tpu.memref_slice %arg10[%mul3A_2, %dma_wait3A] : memref<10240x16xf32, #tpu.memory_space<vmem_shared>> -> memref<640x16xf32, #tpu.memory_space<vmem_shared>>
      tpu.wait_dma2 semaphore(%run_scoped3A : memref<!tpu.dma_semaphore, #tpu.memory_space<semaphore_mem>>) src(%arg5 : memref<640x16xf32, #tpu.memory_space<hbm>>) dst(%dma_wait3A_18 : memref<640x16xf32, #tpu.memory_space<vmem_shared>>)
      tpu.yield
    }) : () -> ()
    "tpu.region"() ({
      %run_scoped3A = tpu.sem_alloc : memref<!tpu.dma_semaphore, #tpu.memory_space<semaphore_mem>>
      %dma_start3A = arith.constant 0 : i32
      %dma_start3A_17 = arith.constant 0 : i32
      %dma_start3A_18 = tpu.memref_slice %arg3[%add3A, %dma_start3A, %dma_start3A_17] : memref<32x125x80xi32, #tpu.memory_space<hbm>> -> memref<1x125x80xi32, #tpu.memory_space<hbm>>
      %dma_start3A_19 = tpu.memref_squeeze %dma_start3A_18 : memref<1x125x80xi32, #tpu.memory_space<hbm>> -> memref<125x80xi32, #tpu.memory_space<hbm>>
      %dma_start3A_20 = arith.constant 0 : i32
      %dma_start3A_21 = arith.constant 0 : i32
      %dma_start3A_22 = tpu.memref_slice %arg3[%add3A, %dma_start3A_20, %dma_start3A_21] : memref<32x125x80xi32, #tpu.memory_space<hbm>> -> memref<1x125x80xi32, #tpu.memory_space<hbm>>
      %dma_start3A_23 = tpu.memref_squeeze %dma_start3A_22 : memref<1x125x80xi32, #tpu.memory_space<hbm>> -> memref<125x80xi32, #tpu.memory_space<hbm>>
      tpu.enqueue_dma source(%dma_start3A_23 : memref<125x80xi32, #tpu.memory_space<hbm>>) target(%arg7 : memref<125x80xi32, #tpu.memory_space<vmem>>) target_semaphore(%run_scoped3A : memref<!tpu.dma_semaphore, #tpu.memory_space<semaphore_mem>>)
      %dma_wait3A = arith.constant 0 : i32
      %dma_wait3A_24 = arith.constant 0 : i32
      %dma_wait3A_25 = tpu.memref_slice %arg3[%add3A, %dma_wait3A, %dma_wait3A_24] : memref<32x125x80xi32, #tpu.memory_space<hbm>> -> memref<1x125x80xi32, #tpu.memory_space<hbm>>
      %dma_wait3A_26 = tpu.memref_squeeze %dma_wait3A_25 : memref<1x125x80xi32, #tpu.memory_space<hbm>> -> memref<125x80xi32, #tpu.memory_space<hbm>>
      %dma_wait3A_27 = arith.constant 0 : i32
      %dma_wait3A_28 = arith.constant 0 : i32
      %dma_wait3A_29 = tpu.memref_slice %arg3[%add3A, %dma_wait3A_27, %dma_wait3A_28] : memref<32x125x80xi32, #tpu.memory_space<hbm>> -> memref<1x125x80xi32, #tpu.memory_space<hbm>>
      %dma_wait3A_30 = tpu.memref_squeeze %dma_wait3A_29 : memref<1x125x80xi32, #tpu.memory_space<hbm>> -> memref<125x80xi32, #tpu.memory_space<hbm>>
      tpu.wait_dma2 semaphore(%run_scoped3A : memref<!tpu.dma_semaphore, #tpu.memory_space<semaphore_mem>>) src(%dma_wait3A_30 : memref<125x80xi32, #tpu.memory_space<hbm>>) dst(%arg7 : memref<125x80xi32, #tpu.memory_space<vmem>>)
      tpu.yield
    }) : () -> ()
    "tpu.region"() ({
      %run_scoped3A = tpu.sem_alloc : memref<!tpu.dma_semaphore, #tpu.memory_space<semaphore_mem>>
      %dma_start3A = arith.constant 0 : i32
      %dma_start3A_17 = arith.constant 0 : i32
      %dma_start3A_18 = tpu.memref_slice %arg4[%add3A, %dma_start3A, %dma_start3A_17] : memref<32x125x80xi32, #tpu.memory_space<hbm>> -> memref<1x125x80xi32, #tpu.memory_space<hbm>>
      %dma_start3A_19 = tpu.memref_squeeze %dma_start3A_18 : memref<1x125x80xi32, #tpu.memory_space<hbm>> -> memref<125x80xi32, #tpu.memory_space<hbm>>
      %dma_start3A_20 = arith.constant 0 : i32
      %dma_start3A_21 = arith.constant 0 : i32
      %dma_start3A_22 = tpu.memref_slice %arg4[%add3A, %dma_start3A_20, %dma_start3A_21] : memref<32x125x80xi32, #tpu.memory_space<hbm>> -> memref<1x125x80xi32, #tpu.memory_space<hbm>>
      %dma_start3A_23 = tpu.memref_squeeze %dma_start3A_22 : memref<1x125x80xi32, #tpu.memory_space<hbm>> -> memref<125x80xi32, #tpu.memory_space<hbm>>
      tpu.enqueue_dma source(%dma_start3A_23 : memref<125x80xi32, #tpu.memory_space<hbm>>) target(%arg8 : memref<125x80xi32, #tpu.memory_space<vmem>>) target_semaphore(%run_scoped3A : memref<!tpu.dma_semaphore, #tpu.memory_space<semaphore_mem>>)
      %dma_wait3A = arith.constant 0 : i32
      %dma_wait3A_24 = arith.constant 0 : i32
      %dma_wait3A_25 = tpu.memref_slice %arg4[%add3A, %dma_wait3A, %dma_wait3A_24] : memref<32x125x80xi32, #tpu.memory_space<hbm>> -> memref<1x125x80xi32, #tpu.memory_space<hbm>>
      %dma_wait3A_26 = tpu.memref_squeeze %dma_wait3A_25 : memref<1x125x80xi32, #tpu.memory_space<hbm>> -> memref<125x80xi32, #tpu.memory_space<hbm>>
      %dma_wait3A_27 = arith.constant 0 : i32
      %dma_wait3A_28 = arith.constant 0 : i32
      %dma_wait3A_29 = tpu.memref_slice %arg4[%add3A, %dma_wait3A_27, %dma_wait3A_28] : memref<32x125x80xi32, #tpu.memory_space<hbm>> -> memref<1x125x80xi32, #tpu.memory_space<hbm>>
      %dma_wait3A_30 = tpu.memref_squeeze %dma_wait3A_29 : memref<1x125x80xi32, #tpu.memory_space<hbm>> -> memref<125x80xi32, #tpu.memory_space<hbm>>
      tpu.wait_dma2 semaphore(%run_scoped3A : memref<!tpu.dma_semaphore, #tpu.memory_space<semaphore_mem>>) src(%dma_wait3A_30 : memref<125x80xi32, #tpu.memory_space<hbm>>) dst(%arg8 : memref<125x80xi32, #tpu.memory_space<vmem>>)
      tpu.yield
    }) : () -> ()
    %barrier3A = arith.constant 0 : index
    tpu.barrier barrier_id(%barrier3A)
    %scan3A = arith.constant 0 : i32
    %scan3A_3 = arith.constant 0 : i32
    %scan3A_4 = arith.constant 125 : i32
    %scan3A_5 = arith.addi %scan3A_3, %scan3A_4 : i32
    %scan3A_6 = arith.constant 1 : i32
    %scan3A_7 = scf.for %scan3A_17 = %scan3A_3 to %scan3A_5 step %scan3A_6 iter_args(%scan3A_18 = %scan3A) -> (i32)  : i32 {
      %dma_start3A = arith.constant 0 : i32
      %dma_start3A_19 = tpu.memref_slice %arg7[%scan3A_17, %dma_start3A] : memref<125x80xi32, #tpu.memory_space<vmem>> -> memref<1x80xi32, #tpu.memory_space<vmem>>
      %dma_start3A_20 = tpu.memref_squeeze %dma_start3A_19 : memref<1x80xi32, #tpu.memory_space<vmem>> -> memref<80xi32, #tpu.memory_space<vmem>>
      %dma_start3A_21 = arith.constant 0 : i32
      %dma_start3A_22 = arith.constant 0 : i32
      %dma_start3A_23 = tpu.memref_slice %arg2[%dma_start3A_21, %dma_start3A_22] : memref<10000x16xf32, #tpu.memory_space<hbm>> -> memref<10000x16xf32, #tpu.memory_space<hbm>>
      tpu.enqueue_indirect_dma source(%dma_start3A_23 : memref<10000x16xf32, #tpu.memory_space<hbm>>) target(%arg9 : memref<80x16xf32, #tpu.memory_space<vmem>>) offsets(%dma_start3A_20 : memref<80xi32, #tpu.memory_space<vmem>>) semaphore(%arg11 : memref<!tpu.dma_semaphore, #tpu.memory_space<semaphore_mem>>)
      %dma_wait3A = arith.constant 0 : i32
      %dma_wait3A_24 = tpu.memref_slice %arg7[%scan3A_17, %dma_wait3A] : memref<125x80xi32, #tpu.memory_space<vmem>> -> memref<1x80xi32, #tpu.memory_space<vmem>>
      %dma_wait3A_25 = tpu.memref_squeeze %dma_wait3A_24 : memref<1x80xi32, #tpu.memory_space<vmem>> -> memref<80xi32, #tpu.memory_space<vmem>>
      %dma_wait3A_26 = arith.constant 0 : i32
      %dma_wait3A_27 = arith.constant 0 : i32
      %dma_wait3A_28 = tpu.memref_slice %arg2[%dma_wait3A_26, %dma_wait3A_27] : memref<10000x16xf32, #tpu.memory_space<hbm>> -> memref<10000x16xf32, #tpu.memory_space<hbm>>
      tpu.wait_indirect_dma semaphore(%arg11 : memref<!tpu.dma_semaphore, #tpu.memory_space<semaphore_mem>>) src(%dma_wait3A_28 : memref<10000x16xf32, #tpu.memory_space<hbm>>) dst(%arg9 : memref<80x16xf32, #tpu.memory_space<vmem>>)
      "tpu.region"() ({
        %run_scoped3A = tpu.sem_alloc : memref<!tpu.dma_semaphore, #tpu.memory_space<semaphore_mem>>
        %dma_start3A_30 = arith.constant 0 : i32
        %dma_start3A_31 = tpu.memref_slice %arg8[%scan3A_17, %dma_start3A_30] : memref<125x80xi32, #tpu.memory_space<vmem>> -> memref<1x80xi32, #tpu.memory_space<vmem>>
        %dma_start3A_32 = tpu.memref_squeeze %dma_start3A_31 : memref<1x80xi32, #tpu.memory_space<vmem>> -> memref<80xi32, #tpu.memory_space<vmem>>
        %dma_start3A_33 = arith.constant 0 : i32
        %dma_start3A_34 = arith.constant 0 : i32
        %dma_start3A_35 = tpu.memref_slice %arg10[%dma_start3A_33, %dma_start3A_34] : memref<10240x16xf32, #tpu.memory_space<vmem_shared>> -> memref<10240x16xf32, #tpu.memory_space<vmem_shared>>
        tpu.enqueue_indirect_dma source(%arg9 : memref<80x16xf32, #tpu.memory_space<vmem>>) target(%dma_start3A_35 : memref<10240x16xf32, #tpu.memory_space<vmem_shared>>) offsets(%dma_start3A_32 : memref<80xi32, #tpu.memory_space<vmem>>) semaphore(%run_scoped3A : memref<!tpu.dma_semaphore, #tpu.memory_space<semaphore_mem>>) {add = true}
        %dma_wait3A_36 = arith.constant 0 : i32
        %dma_wait3A_37 = tpu.memref_slice %arg8[%scan3A_17, %dma_wait3A_36] : memref<125x80xi32, #tpu.memory_space<vmem>> -> memref<1x80xi32, #tpu.memory_space<vmem>>
        %dma_wait3A_38 = tpu.memref_squeeze %dma_wait3A_37 : memref<1x80xi32, #tpu.memory_space<vmem>> -> memref<80xi32, #tpu.memory_space<vmem>>
        %dma_wait3A_39 = arith.constant 0 : i32
        %dma_wait3A_40 = arith.constant 0 : i32
        %dma_wait3A_41 = tpu.memref_slice %arg10[%dma_wait3A_39, %dma_wait3A_40] : memref<10240x16xf32, #tpu.memory_space<vmem_shared>> -> memref<10240x16xf32, #tpu.memory_space<vmem_shared>>
        tpu.wait_indirect_dma semaphore(%run_scoped3A : memref<!tpu.dma_semaphore, #tpu.memory_space<semaphore_mem>>) src(%arg9 : memref<80x16xf32, #tpu.memory_space<vmem>>) dst(%dma_wait3A_41 : memref<10240x16xf32, #tpu.memory_space<vmem_shared>>)
        tpu.yield
      }) : () -> ()
      %scan3A_29 = arith.constant 0 : i32
      scf.yield %scan3A_29 : i32
    }
    %scan3A_8 = arith.constant 125 : i32
    %barrier3A_9 = arith.constant 0 : index
    tpu.barrier barrier_id(%barrier3A_9)
    %mul3A_10 = arith.constant 640 : i32
    %mul3A_11 = arith.muli %arg1, %mul3A_10 : i32
    %mul3A_12 = arith.constant 10240 : i32
    %mul3A_13 = arith.muli %arg0, %mul3A_12 : i32
    %mul3A_14 = arith.constant 640 : i32
    %mul3A_15 = arith.muli %arg1, %mul3A_14 : i32
    %add3A_16 = arith.addi %mul3A_13, %mul3A_15 : i32
    "tpu.region"() ({
      %run_scoped3A = tpu.sem_alloc : memref<!tpu.dma_semaphore, #tpu.memory_space<semaphore_mem>>
      %dma_start3A = arith.constant 0 : i32
      %dma_start3A_17 = tpu.memref_slice %arg6[%add3A_16, %dma_start3A] : memref<20480x16xf32, #tpu.memory_space<hbm>> -> memref<640x16xf32, #tpu.memory_space<hbm>>
      %dma_start3A_18 = arith.constant 0 : i32
      %dma_start3A_19 = tpu.memref_slice %arg10[%mul3A_11, %dma_start3A_18] : memref<10240x16xf32, #tpu.memory_space<vmem_shared>> -> memref<640x16xf32, #tpu.memory_space<vmem_shared>>
      tpu.enqueue_dma source(%dma_start3A_19 : memref<640x16xf32, #tpu.memory_space<vmem_shared>>) target(%dma_start3A_17 : memref<640x16xf32, #tpu.memory_space<hbm>>) target_semaphore(%run_scoped3A : memref<!tpu.dma_semaphore, #tpu.memory_space<semaphore_mem>>)
      %dma_wait3A = arith.constant 0 : i32
      %dma_wait3A_20 = tpu.memref_slice %arg6[%add3A_16, %dma_wait3A] : memref<20480x16xf32, #tpu.memory_space<hbm>> -> memref<640x16xf32, #tpu.memory_space<hbm>>
      %dma_wait3A_21 = arith.constant 0 : i32
      %dma_wait3A_22 = tpu.memref_slice %arg10[%mul3A_11, %dma_wait3A_21] : memref<10240x16xf32, #tpu.memory_space<vmem_shared>> -> memref<640x16xf32, #tpu.memory_space<vmem_shared>>
      tpu.wait_dma2 semaphore(%run_scoped3A : memref<!tpu.dma_semaphore, #tpu.memory_space<semaphore_mem>>) src(%dma_wait3A_22 : memref<640x16xf32, #tpu.memory_space<vmem_shared>>) dst(%dma_wait3A_20 : memref<640x16xf32, #tpu.memory_space<hbm>>)
      tpu.yield
    }) : () -> ()
    return
  }
}

#map = affine_map<(d0, d1) -> (0, 0)>
#map1 = affine_map<(d0, d1) -> (0, 0, 0)>
module attributes {stable_mosaic.version = 14 : i64} {
  func.func @_scatter_body(%arg0: i32, %arg1: i32, %arg2: memref<10000x128xf32, #tpu.memory_space<hbm>>, %arg3: memref<32x125x80xi32, #tpu.memory_space<hbm>>, %arg4: memref<32x125x80xi32, #tpu.memory_space<hbm>>, %arg5: memref<640x128xf32, #tpu.memory_space<hbm>>, %arg6: memref<20480x128xf32, #tpu.memory_space<hbm>>, %arg7: memref<125x80xi32, #tpu.memory_space<vmem>>, %arg8: memref<125x80xi32, #tpu.memory_space<vmem>>, %arg9: memref<80x128xf32, #tpu.memory_space<vmem>>, %arg10: memref<10240x128xf32, #tpu.memory_space<vmem_shared>>, %arg11: memref<!tpu.dma_semaphore, #tpu.memory_space<semaphore_mem>>) attributes {dimension_semantics = [#tpu.dimension_semantics<core_parallel>, #tpu.dimension_semantics<subcore_parallel>], iteration_bounds = array<i64: 2, 16>, scalar_prefetch = 0 : i64, scratch_operands = 5 : i64, tpu.core_type = #tpu.core_type<sc_vector_subcore>, window_params = [{transform_indices = #map}, {transform_indices = #map1}, {transform_indices = #map1}, {transform_indices = #map}, {transform_indices = #map}]} {
    %mul3A = arith.constant 16 : i32
    %mul3A_0 = arith.muli %arg0, %mul3A : i32
    %add3A = arith.addi %mul3A_0, %arg1 : i32
    %mul3A_1 = arith.constant 640 : i32
    %mul3A_2 = arith.muli %arg1, %mul3A_1 : i32
    "tpu.region"() ({
      %run_scoped3A = tpu.sem_alloc : memref<!tpu.dma_semaphore, #tpu.memory_space<semaphore_mem>>
      %dma_start3A = arith.constant 0 : i32
      %dma_start3A_17 = tpu.memref_slice %arg10[%mul3A_2, %dma_start3A] : memref<10240x128xf32, #tpu.memory_space<vmem_shared>> -> memref<640x128xf32, #tpu.memory_space<vmem_shared>>
      tpu.enqueue_dma source(%arg5 : memref<640x128xf32, #tpu.memory_space<hbm>>) target(%dma_start3A_17 : memref<640x128xf32, #tpu.memory_space<vmem_shared>>) target_semaphore(%run_scoped3A : memref<!tpu.dma_semaphore, #tpu.memory_space<semaphore_mem>>)
      %dma_wait3A = arith.constant 0 : i32
      %dma_wait3A_18 = tpu.memref_slice %arg10[%mul3A_2, %dma_wait3A] : memref<10240x128xf32, #tpu.memory_space<vmem_shared>> -> memref<640x128xf32, #tpu.memory_space<vmem_shared>>
      tpu.wait_dma2 semaphore(%run_scoped3A : memref<!tpu.dma_semaphore, #tpu.memory_space<semaphore_mem>>) src(%arg5 : memref<640x128xf32, #tpu.memory_space<hbm>>) dst(%dma_wait3A_18 : memref<640x128xf32, #tpu.memory_space<vmem_shared>>)
      tpu.yield
    }) : () -> ()
    "tpu.region"() ({
      %run_scoped3A = tpu.sem_alloc : memref<!tpu.dma_semaphore, #tpu.memory_space<semaphore_mem>>
      %dma_start3A = arith.constant 0 : i32
      %dma_start3A_17 = arith.constant 0 : i32
      %dma_start3A_18 = tpu.memref_slice %arg3[%add3A, %dma_start3A, %dma_start3A_17] : memref<32x125x80xi32, #tpu.memory_space<hbm>> -> memref<1x125x80xi32, #tpu.memory_space<hbm>>
      %dma_start3A_19 = tpu.memref_squeeze %dma_start3A_18 : memref<1x125x80xi32, #tpu.memory_space<hbm>> -> memref<125x80xi32, #tpu.memory_space<hbm>>
      %dma_start3A_20 = arith.constant 0 : i32
      %dma_start3A_21 = arith.constant 0 : i32
      %dma_start3A_22 = tpu.memref_slice %arg3[%add3A, %dma_start3A_20, %dma_start3A_21] : memref<32x125x80xi32, #tpu.memory_space<hbm>> -> memref<1x125x80xi32, #tpu.memory_space<hbm>>
      %dma_start3A_23 = tpu.memref_squeeze %dma_start3A_22 : memref<1x125x80xi32, #tpu.memory_space<hbm>> -> memref<125x80xi32, #tpu.memory_space<hbm>>
      tpu.enqueue_dma source(%dma_start3A_23 : memref<125x80xi32, #tpu.memory_space<hbm>>) target(%arg7 : memref<125x80xi32, #tpu.memory_space<vmem>>) target_semaphore(%run_scoped3A : memref<!tpu.dma_semaphore, #tpu.memory_space<semaphore_mem>>)
      %dma_wait3A = arith.constant 0 : i32
      %dma_wait3A_24 = arith.constant 0 : i32
      %dma_wait3A_25 = tpu.memref_slice %arg3[%add3A, %dma_wait3A, %dma_wait3A_24] : memref<32x125x80xi32, #tpu.memory_space<hbm>> -> memref<1x125x80xi32, #tpu.memory_space<hbm>>
      %dma_wait3A_26 = tpu.memref_squeeze %dma_wait3A_25 : memref<1x125x80xi32, #tpu.memory_space<hbm>> -> memref<125x80xi32, #tpu.memory_space<hbm>>
      %dma_wait3A_27 = arith.constant 0 : i32
      %dma_wait3A_28 = arith.constant 0 : i32
      %dma_wait3A_29 = tpu.memref_slice %arg3[%add3A, %dma_wait3A_27, %dma_wait3A_28] : memref<32x125x80xi32, #tpu.memory_space<hbm>> -> memref<1x125x80xi32, #tpu.memory_space<hbm>>
      %dma_wait3A_30 = tpu.memref_squeeze %dma_wait3A_29 : memref<1x125x80xi32, #tpu.memory_space<hbm>> -> memref<125x80xi32, #tpu.memory_space<hbm>>
      tpu.wait_dma2 semaphore(%run_scoped3A : memref<!tpu.dma_semaphore, #tpu.memory_space<semaphore_mem>>) src(%dma_wait3A_30 : memref<125x80xi32, #tpu.memory_space<hbm>>) dst(%arg7 : memref<125x80xi32, #tpu.memory_space<vmem>>)
      tpu.yield
    }) : () -> ()
    "tpu.region"() ({
      %run_scoped3A = tpu.sem_alloc : memref<!tpu.dma_semaphore, #tpu.memory_space<semaphore_mem>>
      %dma_start3A = arith.constant 0 : i32
      %dma_start3A_17 = arith.constant 0 : i32
      %dma_start3A_18 = tpu.memref_slice %arg4[%add3A, %dma_start3A, %dma_start3A_17] : memref<32x125x80xi32, #tpu.memory_space<hbm>> -> memref<1x125x80xi32, #tpu.memory_space<hbm>>
      %dma_start3A_19 = tpu.memref_squeeze %dma_start3A_18 : memref<1x125x80xi32, #tpu.memory_space<hbm>> -> memref<125x80xi32, #tpu.memory_space<hbm>>
      %dma_start3A_20 = arith.constant 0 : i32
      %dma_start3A_21 = arith.constant 0 : i32
      %dma_start3A_22 = tpu.memref_slice %arg4[%add3A, %dma_start3A_20, %dma_start3A_21] : memref<32x125x80xi32, #tpu.memory_space<hbm>> -> memref<1x125x80xi32, #tpu.memory_space<hbm>>
      %dma_start3A_23 = tpu.memref_squeeze %dma_start3A_22 : memref<1x125x80xi32, #tpu.memory_space<hbm>> -> memref<125x80xi32, #tpu.memory_space<hbm>>
      tpu.enqueue_dma source(%dma_start3A_23 : memref<125x80xi32, #tpu.memory_space<hbm>>) target(%arg8 : memref<125x80xi32, #tpu.memory_space<vmem>>) target_semaphore(%run_scoped3A : memref<!tpu.dma_semaphore, #tpu.memory_space<semaphore_mem>>)
      %dma_wait3A = arith.constant 0 : i32
      %dma_wait3A_24 = arith.constant 0 : i32
      %dma_wait3A_25 = tpu.memref_slice %arg4[%add3A, %dma_wait3A, %dma_wait3A_24] : memref<32x125x80xi32, #tpu.memory_space<hbm>> -> memref<1x125x80xi32, #tpu.memory_space<hbm>>
      %dma_wait3A_26 = tpu.memref_squeeze %dma_wait3A_25 : memref<1x125x80xi32, #tpu.memory_space<hbm>> -> memref<125x80xi32, #tpu.memory_space<hbm>>
      %dma_wait3A_27 = arith.constant 0 : i32
      %dma_wait3A_28 = arith.constant 0 : i32
      %dma_wait3A_29 = tpu.memref_slice %arg4[%add3A, %dma_wait3A_27, %dma_wait3A_28] : memref<32x125x80xi32, #tpu.memory_space<hbm>> -> memref<1x125x80xi32, #tpu.memory_space<hbm>>
      %dma_wait3A_30 = tpu.memref_squeeze %dma_wait3A_29 : memref<1x125x80xi32, #tpu.memory_space<hbm>> -> memref<125x80xi32, #tpu.memory_space<hbm>>
      tpu.wait_dma2 semaphore(%run_scoped3A : memref<!tpu.dma_semaphore, #tpu.memory_space<semaphore_mem>>) src(%dma_wait3A_30 : memref<125x80xi32, #tpu.memory_space<hbm>>) dst(%arg8 : memref<125x80xi32, #tpu.memory_space<vmem>>)
      tpu.yield
    }) : () -> ()
    %barrier3A = arith.constant 0 : index
    tpu.barrier barrier_id(%barrier3A)
    %scan3A = arith.constant 0 : i32
    %scan3A_3 = arith.constant 0 : i32
    %scan3A_4 = arith.constant 125 : i32
    %scan3A_5 = arith.addi %scan3A_3, %scan3A_4 : i32
    %scan3A_6 = arith.constant 1 : i32
    %scan3A_7 = scf.for %scan3A_17 = %scan3A_3 to %scan3A_5 step %scan3A_6 iter_args(%scan3A_18 = %scan3A) -> (i32)  : i32 {
      %dma_start3A = arith.constant 0 : i32
      %dma_start3A_19 = tpu.memref_slice %arg7[%scan3A_17, %dma_start3A] : memref<125x80xi32, #tpu.memory_space<vmem>> -> memref<1x80xi32, #tpu.memory_space<vmem>>
      %dma_start3A_20 = tpu.memref_squeeze %dma_start3A_19 : memref<1x80xi32, #tpu.memory_space<vmem>> -> memref<80xi32, #tpu.memory_space<vmem>>
      %dma_start3A_21 = arith.constant 0 : i32
      %dma_start3A_22 = arith.constant 0 : i32
      %dma_start3A_23 = tpu.memref_slice %arg2[%dma_start3A_21, %dma_start3A_22] : memref<10000x128xf32, #tpu.memory_space<hbm>> -> memref<10000x128xf32, #tpu.memory_space<hbm>>
      tpu.enqueue_indirect_dma source(%dma_start3A_23 : memref<10000x128xf32, #tpu.memory_space<hbm>>) target(%arg9 : memref<80x128xf32, #tpu.memory_space<vmem>>) offsets(%dma_start3A_20 : memref<80xi32, #tpu.memory_space<vmem>>) semaphore(%arg11 : memref<!tpu.dma_semaphore, #tpu.memory_space<semaphore_mem>>)
      %dma_wait3A = arith.constant 0 : i32
      %dma_wait3A_24 = tpu.memref_slice %arg7[%scan3A_17, %dma_wait3A] : memref<125x80xi32, #tpu.memory_space<vmem>> -> memref<1x80xi32, #tpu.memory_space<vmem>>
      %dma_wait3A_25 = tpu.memref_squeeze %dma_wait3A_24 : memref<1x80xi32, #tpu.memory_space<vmem>> -> memref<80xi32, #tpu.memory_space<vmem>>
      %dma_wait3A_26 = arith.constant 0 : i32
      %dma_wait3A_27 = arith.constant 0 : i32
      %dma_wait3A_28 = tpu.memref_slice %arg2[%dma_wait3A_26, %dma_wait3A_27] : memref<10000x128xf32, #tpu.memory_space<hbm>> -> memref<10000x128xf32, #tpu.memory_space<hbm>>
      tpu.wait_indirect_dma semaphore(%arg11 : memref<!tpu.dma_semaphore, #tpu.memory_space<semaphore_mem>>) src(%dma_wait3A_28 : memref<10000x128xf32, #tpu.memory_space<hbm>>) dst(%arg9 : memref<80x128xf32, #tpu.memory_space<vmem>>)
      "tpu.region"() ({
        %run_scoped3A = tpu.sem_alloc : memref<!tpu.dma_semaphore, #tpu.memory_space<semaphore_mem>>
        %dma_start3A_30 = arith.constant 0 : i32
        %dma_start3A_31 = tpu.memref_slice %arg8[%scan3A_17, %dma_start3A_30] : memref<125x80xi32, #tpu.memory_space<vmem>> -> memref<1x80xi32, #tpu.memory_space<vmem>>
        %dma_start3A_32 = tpu.memref_squeeze %dma_start3A_31 : memref<1x80xi32, #tpu.memory_space<vmem>> -> memref<80xi32, #tpu.memory_space<vmem>>
        %dma_start3A_33 = arith.constant 0 : i32
        %dma_start3A_34 = arith.constant 0 : i32
        %dma_start3A_35 = tpu.memref_slice %arg10[%dma_start3A_33, %dma_start3A_34] : memref<10240x128xf32, #tpu.memory_space<vmem_shared>> -> memref<10240x128xf32, #tpu.memory_space<vmem_shared>>
        tpu.enqueue_indirect_dma source(%arg9 : memref<80x128xf32, #tpu.memory_space<vmem>>) target(%dma_start3A_35 : memref<10240x128xf32, #tpu.memory_space<vmem_shared>>) offsets(%dma_start3A_32 : memref<80xi32, #tpu.memory_space<vmem>>) semaphore(%run_scoped3A : memref<!tpu.dma_semaphore, #tpu.memory_space<semaphore_mem>>) {add = true}
        %dma_wait3A_36 = arith.constant 0 : i32
        %dma_wait3A_37 = tpu.memref_slice %arg8[%scan3A_17, %dma_wait3A_36] : memref<125x80xi32, #tpu.memory_space<vmem>> -> memref<1x80xi32, #tpu.memory_space<vmem>>
        %dma_wait3A_38 = tpu.memref_squeeze %dma_wait3A_37 : memref<1x80xi32, #tpu.memory_space<vmem>> -> memref<80xi32, #tpu.memory_space<vmem>>
        %dma_wait3A_39 = arith.constant 0 : i32
        %dma_wait3A_40 = arith.constant 0 : i32
        %dma_wait3A_41 = tpu.memref_slice %arg10[%dma_wait3A_39, %dma_wait3A_40] : memref<10240x128xf32, #tpu.memory_space<vmem_shared>> -> memref<10240x128xf32, #tpu.memory_space<vmem_shared>>
        tpu.wait_indirect_dma semaphore(%run_scoped3A : memref<!tpu.dma_semaphore, #tpu.memory_space<semaphore_mem>>) src(%arg9 : memref<80x128xf32, #tpu.memory_space<vmem>>) dst(%dma_wait3A_41 : memref<10240x128xf32, #tpu.memory_space<vmem_shared>>)
        tpu.yield
      }) : () -> ()
      %scan3A_29 = arith.constant 0 : i32
      scf.yield %scan3A_29 : i32
    }
    %scan3A_8 = arith.constant 125 : i32
    %barrier3A_9 = arith.constant 0 : index
    tpu.barrier barrier_id(%barrier3A_9)
    %mul3A_10 = arith.constant 640 : i32
    %mul3A_11 = arith.muli %arg1, %mul3A_10 : i32
    %mul3A_12 = arith.constant 10240 : i32
    %mul3A_13 = arith.muli %arg0, %mul3A_12 : i32
    %mul3A_14 = arith.constant 640 : i32
    %mul3A_15 = arith.muli %arg1, %mul3A_14 : i32
    %add3A_16 = arith.addi %mul3A_13, %mul3A_15 : i32
    "tpu.region"() ({
      %run_scoped3A = tpu.sem_alloc : memref<!tpu.dma_semaphore, #tpu.memory_space<semaphore_mem>>
      %dma_start3A = arith.constant 0 : i32
      %dma_start3A_17 = tpu.memref_slice %arg6[%add3A_16, %dma_start3A] : memref<20480x128xf32, #tpu.memory_space<hbm>> -> memref<640x128xf32, #tpu.memory_space<hbm>>
      %dma_start3A_18 = arith.constant 0 : i32
      %dma_start3A_19 = tpu.memref_slice %arg10[%mul3A_11, %dma_start3A_18] : memref<10240x128xf32, #tpu.memory_space<vmem_shared>> -> memref<640x128xf32, #tpu.memory_space<vmem_shared>>
      tpu.enqueue_dma source(%dma_start3A_19 : memref<640x128xf32, #tpu.memory_space<vmem_shared>>) target(%dma_start3A_17 : memref<640x128xf32, #tpu.memory_space<hbm>>) target_semaphore(%run_scoped3A : memref<!tpu.dma_semaphore, #tpu.memory_space<semaphore_mem>>)
      %dma_wait3A = arith.constant 0 : i32
      %dma_wait3A_20 = tpu.memref_slice %arg6[%add3A_16, %dma_wait3A] : memref<20480x128xf32, #tpu.memory_space<hbm>> -> memref<640x128xf32, #tpu.memory_space<hbm>>
      %dma_wait3A_21 = arith.constant 0 : i32
      %dma_wait3A_22 = tpu.memref_slice %arg10[%mul3A_11, %dma_wait3A_21] : memref<10240x128xf32, #tpu.memory_space<vmem_shared>> -> memref<640x128xf32, #tpu.memory_space<vmem_shared>>
      tpu.wait_dma2 semaphore(%run_scoped3A : memref<!tpu.dma_semaphore, #tpu.memory_space<semaphore_mem>>) src(%dma_wait3A_22 : memref<640x128xf32, #tpu.memory_space<vmem_shared>>) dst(%dma_wait3A_20 : memref<640x128xf32, #tpu.memory_space<hbm>>)
      tpu.yield
    }) : () -> ()
    return
  }
}

#map = affine_map<(d0, d1) -> (0, 0)>
#map1 = affine_map<(d0, d1) -> (0, 0, 0)>
module attributes {stable_mosaic.version = 14 : i64} {
  func.func @_scatter_body(%arg0: i32, %arg1: i32, %arg2: memref<10000x128xf32, #tpu.memory_space<hbm>>, %arg3: memref<32x125x80xi32, #tpu.memory_space<hbm>>, %arg4: memref<32x125x80xi32, #tpu.memory_space<hbm>>, %arg5: memref<640x128xf32, #tpu.memory_space<hbm>>, %arg6: memref<20480x128xf32, #tpu.memory_space<hbm>>, %arg7: memref<125x80xi32, #tpu.memory_space<vmem>>, %arg8: memref<125x80xi32, #tpu.memory_space<vmem>>, %arg9: memref<80x128xf32, #tpu.memory_space<vmem>>, %arg10: memref<10240x128xf32, #tpu.memory_space<vmem_shared>>, %arg11: memref<!tpu.dma_semaphore, #tpu.memory_space<semaphore_mem>>) attributes {dimension_semantics = [#tpu.dimension_semantics<core_parallel>, #tpu.dimension_semantics<subcore_parallel>], iteration_bounds = array<i64: 2, 16>, scalar_prefetch = 0 : i64, scratch_operands = 5 : i64, tpu.core_type = #tpu.core_type<sc_vector_subcore>, window_params = [{transform_indices = #map}, {transform_indices = #map1}, {transform_indices = #map1}, {transform_indices = #map}, {transform_indices = #map}]} {
    %mul3A = arith.constant 16 : i32
    %mul3A_0 = arith.muli %arg0, %mul3A : i32
    %add3A = arith.addi %mul3A_0, %arg1 : i32
    %mul3A_1 = arith.constant 640 : i32
    %mul3A_2 = arith.muli %arg1, %mul3A_1 : i32
    "tpu.region"() ({
      %run_scoped3A = tpu.sem_alloc : memref<!tpu.dma_semaphore, #tpu.memory_space<semaphore_mem>>
      %dma_start3A = arith.constant 0 : i32
      %dma_start3A_17 = tpu.memref_slice %arg10[%mul3A_2, %dma_start3A] : memref<10240x128xf32, #tpu.memory_space<vmem_shared>> -> memref<640x128xf32, #tpu.memory_space<vmem_shared>>
      tpu.enqueue_dma source(%arg5 : memref<640x128xf32, #tpu.memory_space<hbm>>) target(%dma_start3A_17 : memref<640x128xf32, #tpu.memory_space<vmem_shared>>) target_semaphore(%run_scoped3A : memref<!tpu.dma_semaphore, #tpu.memory_space<semaphore_mem>>)
      %dma_wait3A = arith.constant 0 : i32
      %dma_wait3A_18 = tpu.memref_slice %arg10[%mul3A_2, %dma_wait3A] : memref<10240x128xf32, #tpu.memory_space<vmem_shared>> -> memref<640x128xf32, #tpu.memory_space<vmem_shared>>
      tpu.wait_dma2 semaphore(%run_scoped3A : memref<!tpu.dma_semaphore, #tpu.memory_space<semaphore_mem>>) src(%arg5 : memref<640x128xf32, #tpu.memory_space<hbm>>) dst(%dma_wait3A_18 : memref<640x128xf32, #tpu.memory_space<vmem_shared>>)
      tpu.yield
    }) : () -> ()
    "tpu.region"() ({
      %run_scoped3A = tpu.sem_alloc : memref<!tpu.dma_semaphore, #tpu.memory_space<semaphore_mem>>
      %dma_start3A = arith.constant 0 : i32
      %dma_start3A_17 = arith.constant 0 : i32
      %dma_start3A_18 = tpu.memref_slice %arg3[%add3A, %dma_start3A, %dma_start3A_17] : memref<32x125x80xi32, #tpu.memory_space<hbm>> -> memref<1x125x80xi32, #tpu.memory_space<hbm>>
      %dma_start3A_19 = tpu.memref_squeeze %dma_start3A_18 : memref<1x125x80xi32, #tpu.memory_space<hbm>> -> memref<125x80xi32, #tpu.memory_space<hbm>>
      %dma_start3A_20 = arith.constant 0 : i32
      %dma_start3A_21 = arith.constant 0 : i32
      %dma_start3A_22 = tpu.memref_slice %arg3[%add3A, %dma_start3A_20, %dma_start3A_21] : memref<32x125x80xi32, #tpu.memory_space<hbm>> -> memref<1x125x80xi32, #tpu.memory_space<hbm>>
      %dma_start3A_23 = tpu.memref_squeeze %dma_start3A_22 : memref<1x125x80xi32, #tpu.memory_space<hbm>> -> memref<125x80xi32, #tpu.memory_space<hbm>>
      tpu.enqueue_dma source(%dma_start3A_23 : memref<125x80xi32, #tpu.memory_space<hbm>>) target(%arg7 : memref<125x80xi32, #tpu.memory_space<vmem>>) target_semaphore(%run_scoped3A : memref<!tpu.dma_semaphore, #tpu.memory_space<semaphore_mem>>)
      %dma_wait3A = arith.constant 0 : i32
      %dma_wait3A_24 = arith.constant 0 : i32
      %dma_wait3A_25 = tpu.memref_slice %arg3[%add3A, %dma_wait3A, %dma_wait3A_24] : memref<32x125x80xi32, #tpu.memory_space<hbm>> -> memref<1x125x80xi32, #tpu.memory_space<hbm>>
      %dma_wait3A_26 = tpu.memref_squeeze %dma_wait3A_25 : memref<1x125x80xi32, #tpu.memory_space<hbm>> -> memref<125x80xi32, #tpu.memory_space<hbm>>
      %dma_wait3A_27 = arith.constant 0 : i32
      %dma_wait3A_28 = arith.constant 0 : i32
      %dma_wait3A_29 = tpu.memref_slice %arg3[%add3A, %dma_wait3A_27, %dma_wait3A_28] : memref<32x125x80xi32, #tpu.memory_space<hbm>> -> memref<1x125x80xi32, #tpu.memory_space<hbm>>
      %dma_wait3A_30 = tpu.memref_squeeze %dma_wait3A_29 : memref<1x125x80xi32, #tpu.memory_space<hbm>> -> memref<125x80xi32, #tpu.memory_space<hbm>>
      tpu.wait_dma2 semaphore(%run_scoped3A : memref<!tpu.dma_semaphore, #tpu.memory_space<semaphore_mem>>) src(%dma_wait3A_30 : memref<125x80xi32, #tpu.memory_space<hbm>>) dst(%arg7 : memref<125x80xi32, #tpu.memory_space<vmem>>)
      tpu.yield
    }) : () -> ()
    "tpu.region"() ({
      %run_scoped3A = tpu.sem_alloc : memref<!tpu.dma_semaphore, #tpu.memory_space<semaphore_mem>>
      %dma_start3A = arith.constant 0 : i32
      %dma_start3A_17 = arith.constant 0 : i32
      %dma_start3A_18 = tpu.memref_slice %arg4[%add3A, %dma_start3A, %dma_start3A_17] : memref<32x125x80xi32, #tpu.memory_space<hbm>> -> memref<1x125x80xi32, #tpu.memory_space<hbm>>
      %dma_start3A_19 = tpu.memref_squeeze %dma_start3A_18 : memref<1x125x80xi32, #tpu.memory_space<hbm>> -> memref<125x80xi32, #tpu.memory_space<hbm>>
      %dma_start3A_20 = arith.constant 0 : i32
      %dma_start3A_21 = arith.constant 0 : i32
      %dma_start3A_22 = tpu.memref_slice %arg4[%add3A, %dma_start3A_20, %dma_start3A_21] : memref<32x125x80xi32, #tpu.memory_space<hbm>> -> memref<1x125x80xi32, #tpu.memory_space<hbm>>
      %dma_start3A_23 = tpu.memref_squeeze %dma_start3A_22 : memref<1x125x80xi32, #tpu.memory_space<hbm>> -> memref<125x80xi32, #tpu.memory_space<hbm>>
      tpu.enqueue_dma source(%dma_start3A_23 : memref<125x80xi32, #tpu.memory_space<hbm>>) target(%arg8 : memref<125x80xi32, #tpu.memory_space<vmem>>) target_semaphore(%run_scoped3A : memref<!tpu.dma_semaphore, #tpu.memory_space<semaphore_mem>>)
      %dma_wait3A = arith.constant 0 : i32
      %dma_wait3A_24 = arith.constant 0 : i32
      %dma_wait3A_25 = tpu.memref_slice %arg4[%add3A, %dma_wait3A, %dma_wait3A_24] : memref<32x125x80xi32, #tpu.memory_space<hbm>> -> memref<1x125x80xi32, #tpu.memory_space<hbm>>
      %dma_wait3A_26 = tpu.memref_squeeze %dma_wait3A_25 : memref<1x125x80xi32, #tpu.memory_space<hbm>> -> memref<125x80xi32, #tpu.memory_space<hbm>>
      %dma_wait3A_27 = arith.constant 0 : i32
      %dma_wait3A_28 = arith.constant 0 : i32
      %dma_wait3A_29 = tpu.memref_slice %arg4[%add3A, %dma_wait3A_27, %dma_wait3A_28] : memref<32x125x80xi32, #tpu.memory_space<hbm>> -> memref<1x125x80xi32, #tpu.memory_space<hbm>>
      %dma_wait3A_30 = tpu.memref_squeeze %dma_wait3A_29 : memref<1x125x80xi32, #tpu.memory_space<hbm>> -> memref<125x80xi32, #tpu.memory_space<hbm>>
      tpu.wait_dma2 semaphore(%run_scoped3A : memref<!tpu.dma_semaphore, #tpu.memory_space<semaphore_mem>>) src(%dma_wait3A_30 : memref<125x80xi32, #tpu.memory_space<hbm>>) dst(%arg8 : memref<125x80xi32, #tpu.memory_space<vmem>>)
      tpu.yield
    }) : () -> ()
    %barrier3A = arith.constant 0 : index
    tpu.barrier barrier_id(%barrier3A)
    %scan3A = arith.constant 0 : i32
    %scan3A_3 = arith.constant 0 : i32
    %scan3A_4 = arith.constant 125 : i32
    %scan3A_5 = arith.addi %scan3A_3, %scan3A_4 : i32
    %scan3A_6 = arith.constant 1 : i32
    %scan3A_7 = scf.for %scan3A_17 = %scan3A_3 to %scan3A_5 step %scan3A_6 iter_args(%scan3A_18 = %scan3A) -> (i32)  : i32 {
      %dma_start3A = arith.constant 0 : i32
      %dma_start3A_19 = tpu.memref_slice %arg7[%scan3A_17, %dma_start3A] : memref<125x80xi32, #tpu.memory_space<vmem>> -> memref<1x80xi32, #tpu.memory_space<vmem>>
      %dma_start3A_20 = tpu.memref_squeeze %dma_start3A_19 : memref<1x80xi32, #tpu.memory_space<vmem>> -> memref<80xi32, #tpu.memory_space<vmem>>
      %dma_start3A_21 = arith.constant 0 : i32
      %dma_start3A_22 = arith.constant 0 : i32
      %dma_start3A_23 = tpu.memref_slice %arg2[%dma_start3A_21, %dma_start3A_22] : memref<10000x128xf32, #tpu.memory_space<hbm>> -> memref<10000x128xf32, #tpu.memory_space<hbm>>
      tpu.enqueue_indirect_dma source(%dma_start3A_23 : memref<10000x128xf32, #tpu.memory_space<hbm>>) target(%arg9 : memref<80x128xf32, #tpu.memory_space<vmem>>) offsets(%dma_start3A_20 : memref<80xi32, #tpu.memory_space<vmem>>) semaphore(%arg11 : memref<!tpu.dma_semaphore, #tpu.memory_space<semaphore_mem>>)
      %dma_wait3A = arith.constant 0 : i32
      %dma_wait3A_24 = tpu.memref_slice %arg7[%scan3A_17, %dma_wait3A] : memref<125x80xi32, #tpu.memory_space<vmem>> -> memref<1x80xi32, #tpu.memory_space<vmem>>
      %dma_wait3A_25 = tpu.memref_squeeze %dma_wait3A_24 : memref<1x80xi32, #tpu.memory_space<vmem>> -> memref<80xi32, #tpu.memory_space<vmem>>
      %dma_wait3A_26 = arith.constant 0 : i32
      %dma_wait3A_27 = arith.constant 0 : i32
      %dma_wait3A_28 = tpu.memref_slice %arg2[%dma_wait3A_26, %dma_wait3A_27] : memref<10000x128xf32, #tpu.memory_space<hbm>> -> memref<10000x128xf32, #tpu.memory_space<hbm>>
      tpu.wait_indirect_dma semaphore(%arg11 : memref<!tpu.dma_semaphore, #tpu.memory_space<semaphore_mem>>) src(%dma_wait3A_28 : memref<10000x128xf32, #tpu.memory_space<hbm>>) dst(%arg9 : memref<80x128xf32, #tpu.memory_space<vmem>>)
      "tpu.region"() ({
        %run_scoped3A = tpu.sem_alloc : memref<!tpu.dma_semaphore, #tpu.memory_space<semaphore_mem>>
        %dma_start3A_30 = arith.constant 0 : i32
        %dma_start3A_31 = tpu.memref_slice %arg8[%scan3A_17, %dma_start3A_30] : memref<125x80xi32, #tpu.memory_space<vmem>> -> memref<1x80xi32, #tpu.memory_space<vmem>>
        %dma_start3A_32 = tpu.memref_squeeze %dma_start3A_31 : memref<1x80xi32, #tpu.memory_space<vmem>> -> memref<80xi32, #tpu.memory_space<vmem>>
        %dma_start3A_33 = arith.constant 0 : i32
        %dma_start3A_34 = arith.constant 0 : i32
        %dma_start3A_35 = tpu.memref_slice %arg10[%dma_start3A_33, %dma_start3A_34] : memref<10240x128xf32, #tpu.memory_space<vmem_shared>> -> memref<10240x128xf32, #tpu.memory_space<vmem_shared>>
        tpu.enqueue_indirect_dma source(%arg9 : memref<80x128xf32, #tpu.memory_space<vmem>>) target(%dma_start3A_35 : memref<10240x128xf32, #tpu.memory_space<vmem_shared>>) offsets(%dma_start3A_32 : memref<80xi32, #tpu.memory_space<vmem>>) semaphore(%run_scoped3A : memref<!tpu.dma_semaphore, #tpu.memory_space<semaphore_mem>>) {add = true}
        %dma_wait3A_36 = arith.constant 0 : i32
        %dma_wait3A_37 = tpu.memref_slice %arg8[%scan3A_17, %dma_wait3A_36] : memref<125x80xi32, #tpu.memory_space<vmem>> -> memref<1x80xi32, #tpu.memory_space<vmem>>
        %dma_wait3A_38 = tpu.memref_squeeze %dma_wait3A_37 : memref<1x80xi32, #tpu.memory_space<vmem>> -> memref<80xi32, #tpu.memory_space<vmem>>
        %dma_wait3A_39 = arith.constant 0 : i32
        %dma_wait3A_40 = arith.constant 0 : i32
        %dma_wait3A_41 = tpu.memref_slice %arg10[%dma_wait3A_39, %dma_wait3A_40] : memref<10240x128xf32, #tpu.memory_space<vmem_shared>> -> memref<10240x128xf32, #tpu.memory_space<vmem_shared>>
        tpu.wait_indirect_dma semaphore(%run_scoped3A : memref<!tpu.dma_semaphore, #tpu.memory_space<semaphore_mem>>) src(%arg9 : memref<80x128xf32, #tpu.memory_space<vmem>>) dst(%dma_wait3A_41 : memref<10240x128xf32, #tpu.memory_space<vmem_shared>>)
        tpu.yield
      }) : () -> ()
      %scan3A_29 = arith.constant 0 : i32
      scf.yield %scan3A_29 : i32
    }
    %scan3A_8 = arith.constant 125 : i32
    %barrier3A_9 = arith.constant 0 : index
    tpu.barrier barrier_id(%barrier3A_9)
    %mul3A_10 = arith.constant 640 : i32
    %mul3A_11 = arith.muli %arg1, %mul3A_10 : i32
    %mul3A_12 = arith.constant 10240 : i32
    %mul3A_13 = arith.muli %arg0, %mul3A_12 : i32
    %mul3A_14 = arith.constant 640 : i32
    %mul3A_15 = arith.muli %arg1, %mul3A_14 : i32
    %add3A_16 = arith.addi %mul3A_13, %mul3A_15 : i32
    "tpu.region"() ({
      %run_scoped3A = tpu.sem_alloc : memref<!tpu.dma_semaphore, #tpu.memory_space<semaphore_mem>>
      %dma_start3A = arith.constant 0 : i32
      %dma_start3A_17 = tpu.memref_slice %arg6[%add3A_16, %dma_start3A] : memref<20480x128xf32, #tpu.memory_space<hbm>> -> memref<640x128xf32, #tpu.memory_space<hbm>>
      %dma_start3A_18 = arith.constant 0 : i32
      %dma_start3A_19 = tpu.memref_slice %arg10[%mul3A_11, %dma_start3A_18] : memref<10240x128xf32, #tpu.memory_space<vmem_shared>> -> memref<640x128xf32, #tpu.memory_space<vmem_shared>>
      tpu.enqueue_dma source(%dma_start3A_19 : memref<640x128xf32, #tpu.memory_space<vmem_shared>>) target(%dma_start3A_17 : memref<640x128xf32, #tpu.memory_space<hbm>>) target_semaphore(%run_scoped3A : memref<!tpu.dma_semaphore, #tpu.memory_space<semaphore_mem>>)
      %dma_wait3A = arith.constant 0 : i32
      %dma_wait3A_20 = tpu.memref_slice %arg6[%add3A_16, %dma_wait3A] : memref<20480x128xf32, #tpu.memory_space<hbm>> -> memref<640x128xf32, #tpu.memory_space<hbm>>
      %dma_wait3A_21 = arith.constant 0 : i32
      %dma_wait3A_22 = tpu.memref_slice %arg10[%mul3A_11, %dma_wait3A_21] : memref<10240x128xf32, #tpu.memory_space<vmem_shared>> -> memref<640x128xf32, #tpu.memory_space<vmem_shared>>
      tpu.wait_dma2 semaphore(%run_scoped3A : memref<!tpu.dma_semaphore, #tpu.memory_space<semaphore_mem>>) src(%dma_wait3A_22 : memref<640x128xf32, #tpu.memory_space<vmem_shared>>) dst(%dma_wait3A_20 : memref<640x128xf32, #tpu.memory_space<hbm>>)
      tpu.yield
    }) : () -> ()
    return
  }
}

#map = affine_map<(d0, d1) -> (0, 0, 0)>
#map1 = affine_map<(d0, d1) -> (0, 0)>
module attributes {stable_mosaic.version = 14 : i64} {
  func.func @_deg_body(%arg0: i32, %arg1: i32, %arg2: memref<32x125x80xi32, #tpu.memory_space<hbm>>, %arg3: memref<80x16xf32, #tpu.memory_space<hbm>>, %arg4: memref<640x16xf32, #tpu.memory_space<hbm>>, %arg5: memref<20480x16xf32, #tpu.memory_space<hbm>>, %arg6: memref<125x80xi32, #tpu.memory_space<vmem>>, %arg7: memref<80x16xf32, #tpu.memory_space<vmem>>, %arg8: memref<10240x16xf32, #tpu.memory_space<vmem_shared>>) attributes {dimension_semantics = [#tpu.dimension_semantics<core_parallel>, #tpu.dimension_semantics<subcore_parallel>], iteration_bounds = array<i64: 2, 16>, scalar_prefetch = 0 : i64, scratch_operands = 3 : i64, tpu.core_type = #tpu.core_type<sc_vector_subcore>, window_params = [{transform_indices = #map}, {transform_indices = #map1}, {transform_indices = #map1}, {transform_indices = #map1}]} {
    %mul3A = arith.constant 16 : i32
    %mul3A_0 = arith.muli %arg0, %mul3A : i32
    %add3A = arith.addi %mul3A_0, %arg1 : i32
    %mul3A_1 = arith.constant 640 : i32
    %mul3A_2 = arith.muli %arg1, %mul3A_1 : i32
    "tpu.region"() ({
      %run_scoped3A = tpu.sem_alloc : memref<!tpu.dma_semaphore, #tpu.memory_space<semaphore_mem>>
      %dma_start3A = arith.constant 0 : i32
      %dma_start3A_17 = tpu.memref_slice %arg8[%mul3A_2, %dma_start3A] : memref<10240x16xf32, #tpu.memory_space<vmem_shared>> -> memref<640x16xf32, #tpu.memory_space<vmem_shared>>
      tpu.enqueue_dma source(%arg4 : memref<640x16xf32, #tpu.memory_space<hbm>>) target(%dma_start3A_17 : memref<640x16xf32, #tpu.memory_space<vmem_shared>>) target_semaphore(%run_scoped3A : memref<!tpu.dma_semaphore, #tpu.memory_space<semaphore_mem>>)
      %dma_wait3A = arith.constant 0 : i32
      %dma_wait3A_18 = tpu.memref_slice %arg8[%mul3A_2, %dma_wait3A] : memref<10240x16xf32, #tpu.memory_space<vmem_shared>> -> memref<640x16xf32, #tpu.memory_space<vmem_shared>>
      tpu.wait_dma2 semaphore(%run_scoped3A : memref<!tpu.dma_semaphore, #tpu.memory_space<semaphore_mem>>) src(%arg4 : memref<640x16xf32, #tpu.memory_space<hbm>>) dst(%dma_wait3A_18 : memref<640x16xf32, #tpu.memory_space<vmem_shared>>)
      tpu.yield
    }) : () -> ()
    "tpu.region"() ({
      %run_scoped3A = tpu.sem_alloc : memref<!tpu.dma_semaphore, #tpu.memory_space<semaphore_mem>>
      %dma_start3A = arith.constant 0 : i32
      %dma_start3A_17 = arith.constant 0 : i32
      %dma_start3A_18 = tpu.memref_slice %arg2[%add3A, %dma_start3A, %dma_start3A_17] : memref<32x125x80xi32, #tpu.memory_space<hbm>> -> memref<1x125x80xi32, #tpu.memory_space<hbm>>
      %dma_start3A_19 = tpu.memref_squeeze %dma_start3A_18 : memref<1x125x80xi32, #tpu.memory_space<hbm>> -> memref<125x80xi32, #tpu.memory_space<hbm>>
      %dma_start3A_20 = arith.constant 0 : i32
      %dma_start3A_21 = arith.constant 0 : i32
      %dma_start3A_22 = tpu.memref_slice %arg2[%add3A, %dma_start3A_20, %dma_start3A_21] : memref<32x125x80xi32, #tpu.memory_space<hbm>> -> memref<1x125x80xi32, #tpu.memory_space<hbm>>
      %dma_start3A_23 = tpu.memref_squeeze %dma_start3A_22 : memref<1x125x80xi32, #tpu.memory_space<hbm>> -> memref<125x80xi32, #tpu.memory_space<hbm>>
      tpu.enqueue_dma source(%dma_start3A_23 : memref<125x80xi32, #tpu.memory_space<hbm>>) target(%arg6 : memref<125x80xi32, #tpu.memory_space<vmem>>) target_semaphore(%run_scoped3A : memref<!tpu.dma_semaphore, #tpu.memory_space<semaphore_mem>>)
      %dma_wait3A = arith.constant 0 : i32
      %dma_wait3A_24 = arith.constant 0 : i32
      %dma_wait3A_25 = tpu.memref_slice %arg2[%add3A, %dma_wait3A, %dma_wait3A_24] : memref<32x125x80xi32, #tpu.memory_space<hbm>> -> memref<1x125x80xi32, #tpu.memory_space<hbm>>
      %dma_wait3A_26 = tpu.memref_squeeze %dma_wait3A_25 : memref<1x125x80xi32, #tpu.memory_space<hbm>> -> memref<125x80xi32, #tpu.memory_space<hbm>>
      %dma_wait3A_27 = arith.constant 0 : i32
      %dma_wait3A_28 = arith.constant 0 : i32
      %dma_wait3A_29 = tpu.memref_slice %arg2[%add3A, %dma_wait3A_27, %dma_wait3A_28] : memref<32x125x80xi32, #tpu.memory_space<hbm>> -> memref<1x125x80xi32, #tpu.memory_space<hbm>>
      %dma_wait3A_30 = tpu.memref_squeeze %dma_wait3A_29 : memref<1x125x80xi32, #tpu.memory_space<hbm>> -> memref<125x80xi32, #tpu.memory_space<hbm>>
      tpu.wait_dma2 semaphore(%run_scoped3A : memref<!tpu.dma_semaphore, #tpu.memory_space<semaphore_mem>>) src(%dma_wait3A_30 : memref<125x80xi32, #tpu.memory_space<hbm>>) dst(%arg6 : memref<125x80xi32, #tpu.memory_space<vmem>>)
      tpu.yield
    }) : () -> ()
    "tpu.region"() ({
      %run_scoped3A = tpu.sem_alloc : memref<!tpu.dma_semaphore, #tpu.memory_space<semaphore_mem>>
      tpu.enqueue_dma source(%arg3 : memref<80x16xf32, #tpu.memory_space<hbm>>) target(%arg7 : memref<80x16xf32, #tpu.memory_space<vmem>>) target_semaphore(%run_scoped3A : memref<!tpu.dma_semaphore, #tpu.memory_space<semaphore_mem>>)
      tpu.wait_dma2 semaphore(%run_scoped3A : memref<!tpu.dma_semaphore, #tpu.memory_space<semaphore_mem>>) src(%arg3 : memref<80x16xf32, #tpu.memory_space<hbm>>) dst(%arg7 : memref<80x16xf32, #tpu.memory_space<vmem>>)
      tpu.yield
    }) : () -> ()
    %barrier3A = arith.constant 0 : index
    tpu.barrier barrier_id(%barrier3A)
    %scan3A = arith.constant 0 : i32
    %scan3A_3 = arith.constant 0 : i32
    %scan3A_4 = arith.constant 125 : i32
    %scan3A_5 = arith.addi %scan3A_3, %scan3A_4 : i32
    %scan3A_6 = arith.constant 1 : i32
    %scan3A_7 = scf.for %scan3A_17 = %scan3A_3 to %scan3A_5 step %scan3A_6 iter_args(%scan3A_18 = %scan3A) -> (i32)  : i32 {
      "tpu.region"() ({
        %run_scoped3A = tpu.sem_alloc : memref<!tpu.dma_semaphore, #tpu.memory_space<semaphore_mem>>
        %dma_start3A = arith.constant 0 : i32
        %dma_start3A_20 = tpu.memref_slice %arg6[%scan3A_17, %dma_start3A] : memref<125x80xi32, #tpu.memory_space<vmem>> -> memref<1x80xi32, #tpu.memory_space<vmem>>
        %dma_start3A_21 = tpu.memref_squeeze %dma_start3A_20 : memref<1x80xi32, #tpu.memory_space<vmem>> -> memref<80xi32, #tpu.memory_space<vmem>>
        %dma_start3A_22 = arith.constant 0 : i32
        %dma_start3A_23 = arith.constant 0 : i32
        %dma_start3A_24 = tpu.memref_slice %arg8[%dma_start3A_22, %dma_start3A_23] : memref<10240x16xf32, #tpu.memory_space<vmem_shared>> -> memref<10240x16xf32, #tpu.memory_space<vmem_shared>>
        tpu.enqueue_indirect_dma source(%arg7 : memref<80x16xf32, #tpu.memory_space<vmem>>) target(%dma_start3A_24 : memref<10240x16xf32, #tpu.memory_space<vmem_shared>>) offsets(%dma_start3A_21 : memref<80xi32, #tpu.memory_space<vmem>>) semaphore(%run_scoped3A : memref<!tpu.dma_semaphore, #tpu.memory_space<semaphore_mem>>) {add = true}
        %dma_wait3A = arith.constant 0 : i32
        %dma_wait3A_25 = tpu.memref_slice %arg6[%scan3A_17, %dma_wait3A] : memref<125x80xi32, #tpu.memory_space<vmem>> -> memref<1x80xi32, #tpu.memory_space<vmem>>
        %dma_wait3A_26 = tpu.memref_squeeze %dma_wait3A_25 : memref<1x80xi32, #tpu.memory_space<vmem>> -> memref<80xi32, #tpu.memory_space<vmem>>
        %dma_wait3A_27 = arith.constant 0 : i32
        %dma_wait3A_28 = arith.constant 0 : i32
        %dma_wait3A_29 = tpu.memref_slice %arg8[%dma_wait3A_27, %dma_wait3A_28] : memref<10240x16xf32, #tpu.memory_space<vmem_shared>> -> memref<10240x16xf32, #tpu.memory_space<vmem_shared>>
        tpu.wait_indirect_dma semaphore(%run_scoped3A : memref<!tpu.dma_semaphore, #tpu.memory_space<semaphore_mem>>) src(%arg7 : memref<80x16xf32, #tpu.memory_space<vmem>>) dst(%dma_wait3A_29 : memref<10240x16xf32, #tpu.memory_space<vmem_shared>>)
        tpu.yield
      }) : () -> ()
      %scan3A_19 = arith.constant 0 : i32
      scf.yield %scan3A_19 : i32
    }
    %scan3A_8 = arith.constant 125 : i32
    %barrier3A_9 = arith.constant 0 : index
    tpu.barrier barrier_id(%barrier3A_9)
    %mul3A_10 = arith.constant 640 : i32
    %mul3A_11 = arith.muli %arg1, %mul3A_10 : i32
    %mul3A_12 = arith.constant 10240 : i32
    %mul3A_13 = arith.muli %arg0, %mul3A_12 : i32
    %mul3A_14 = arith.constant 640 : i32
    %mul3A_15 = arith.muli %arg1, %mul3A_14 : i32
    %add3A_16 = arith.addi %mul3A_13, %mul3A_15 : i32
    "tpu.region"() ({
      %run_scoped3A = tpu.sem_alloc : memref<!tpu.dma_semaphore, #tpu.memory_space<semaphore_mem>>
      %dma_start3A = arith.constant 0 : i32
      %dma_start3A_17 = tpu.memref_slice %arg5[%add3A_16, %dma_start3A] : memref<20480x16xf32, #tpu.memory_space<hbm>> -> memref<640x16xf32, #tpu.memory_space<hbm>>
      %dma_start3A_18 = arith.constant 0 : i32
      %dma_start3A_19 = tpu.memref_slice %arg8[%mul3A_11, %dma_start3A_18] : memref<10240x16xf32, #tpu.memory_space<vmem_shared>> -> memref<640x16xf32, #tpu.memory_space<vmem_shared>>
      tpu.enqueue_dma source(%dma_start3A_19 : memref<640x16xf32, #tpu.memory_space<vmem_shared>>) target(%dma_start3A_17 : memref<640x16xf32, #tpu.memory_space<hbm>>) target_semaphore(%run_scoped3A : memref<!tpu.dma_semaphore, #tpu.memory_space<semaphore_mem>>)
      %dma_wait3A = arith.constant 0 : i32
      %dma_wait3A_20 = tpu.memref_slice %arg5[%add3A_16, %dma_wait3A] : memref<20480x16xf32, #tpu.memory_space<hbm>> -> memref<640x16xf32, #tpu.memory_space<hbm>>
      %dma_wait3A_21 = arith.constant 0 : i32
      %dma_wait3A_22 = tpu.memref_slice %arg8[%mul3A_11, %dma_wait3A_21] : memref<10240x16xf32, #tpu.memory_space<vmem_shared>> -> memref<640x16xf32, #tpu.memory_space<vmem_shared>>
      tpu.wait_dma2 semaphore(%run_scoped3A : memref<!tpu.dma_semaphore, #tpu.memory_space<semaphore_mem>>) src(%dma_wait3A_22 : memref<640x16xf32, #tpu.memory_space<vmem_shared>>) dst(%dma_wait3A_20 : memref<640x16xf32, #tpu.memory_space<hbm>>)
      tpu.yield
    }) : () -> ()
    return
  }
}

module attributes {stable_mosaic.version = 14 : i64} {
  func.func @_dinv_body(%arg0: memref<1250x128xf32, #tpu.memory_space<vmem>>, %arg1: memref<1250x128xf32, #tpu.memory_space<vmem>>, %arg2: memref<128x1024xf32, #tpu.memory_space<vmem>>, %arg3: memref<1250x1024xf32, #tpu.memory_space<vmem>>) attributes {dimension_semantics = [], scalar_prefetch = 0 : i64, scratch_operands = 0 : i64, tpu.core_type = #tpu.core_type<tc>} {
    %get3A = arith.constant 0 : index
    %get3A_0 = arith.constant 0 : index
    %get3A_1 = vector.load %arg0[%get3A, %get3A_0] : memref<1250x128xf32, #tpu.memory_space<vmem>>, vector<1250x128xf32>
    %get3A_2 = arith.constant 0 : index
    %get3A_3 = arith.constant 0 : index
    %get3A_4 = vector.load %arg1[%get3A_2, %get3A_3] : memref<1250x128xf32, #tpu.memory_space<vmem>>, vector<1250x128xf32>
    %add3A = arith.addf %get3A_1, %get3A_4 : vector<1250x128xf32>
    %add3A_5 = arith.constant 1.000000e+00 : f32
    %add3A_6 = vector.broadcast %add3A_5 : f32 to vector<1250x128xf32>
    %add3A_7 = arith.addf %add3A, %add3A_6 : vector<1250x128xf32>
    %rsqrt3A = math.rsqrt %add3A_7 : vector<1250x128xf32>
    %get3A_8 = arith.constant 0 : index
    %get3A_9 = arith.constant 0 : index
    %get3A_10 = vector.load %arg2[%get3A_8, %get3A_9] : memref<128x1024xf32, #tpu.memory_space<vmem>>, vector<128x1024xf32>
    %dot_general3A = arith.constant dense<0.000000e+00> : vector<1250x1024xf32>
    %dot_general3A_11 = tpu.matmul %rsqrt3A, %get3A_10, %dot_general3A {dimension_numbers = #tpu.dot_dimension_numbers<[1], [0], [0], [1], [0, 0, 1, 1], [], []>, transpose_lhs_hint = false} : vector<1250x128xf32>, vector<128x1024xf32>, vector<1250x1024xf32> -> vector<1250x1024xf32>
    %swap3A = arith.constant 0 : index
    %swap3A_12 = arith.constant 0 : index
    %swap3A_13 = vector.load %arg3[%swap3A, %swap3A_12] : memref<1250x1024xf32, #tpu.memory_space<vmem>>, vector<1250x1024xf32>
    tpu.vector_store %arg3[%swap3A, %swap3A_12], %dot_general3A_11 {strides = array<i32>} : memref<1250x1024xf32, #tpu.memory_space<vmem>>, vector<1250x1024xf32>,
    return
  }
}

module attributes {stable_mosaic.version = 14 : i64} {
  func.func @_mm1_body(%arg0: i32, %arg1: memref<2000x128xf32, #tpu.memory_space<vmem>>, %arg2: memref<128x128xf32, #tpu.memory_space<vmem>>, %arg3: memref<2000x128xf32, #tpu.memory_space<vmem>>, %arg4: memref<2000x128xf32, #tpu.memory_space<vmem>>) attributes {dimension_semantics = [#tpu.dimension_semantics<arbitrary>], iteration_bounds = array<i64: 5>, scalar_prefetch = 0 : i64, scratch_operands = 0 : i64, tpu.core_type = #tpu.core_type<tc>, window_params = [{transform_indices = @transform_0, window_bounds = array<i64: 2000, 128>}, {pipeline_mode = #tpu.pipeline_mode<synchronous>, transform_indices = @transform_1, window_bounds = array<i64: 128, 128>}, {transform_indices = @transform_2, window_bounds = array<i64: 2000, 128>}, {transform_indices = @transform_3, window_bounds = array<i64: 2000, 128>}]} {
    %get3A = arith.constant 0 : index
    %get3A_0 = arith.constant 0 : index
    %get3A_1 = vector.load %arg1[%get3A, %get3A_0] : memref<2000x128xf32, #tpu.memory_space<vmem>>, vector<2000x128xf32>
    %get3A_2 = arith.constant 0 : index
    %get3A_3 = arith.constant 0 : index
    %get3A_4 = vector.load %arg2[%get3A_2, %get3A_3] : memref<128x128xf32, #tpu.memory_space<vmem>>, vector<128x128xf32>
    %dot_general3A = arith.constant dense<0.000000e+00> : vector<2000x128xf32>
    %dot_general3A_5 = tpu.matmul %get3A_1, %get3A_4, %dot_general3A {dimension_numbers = #tpu.dot_dimension_numbers<[1], [0], [0], [1], [0, 0, 1, 1], [], []>, transpose_lhs_hint = false} : vector<2000x128xf32>, vector<128x128xf32>, vector<2000x128xf32> -> vector<2000x128xf32>
    %get3A_6 = arith.constant 0 : index
    %get3A_7 = arith.constant 0 : index
    %get3A_8 = vector.load %arg3[%get3A_6, %get3A_7] : memref<2000x128xf32, #tpu.memory_space<vmem>>, vector<2000x128xf32>
    %mul3A = arith.mulf %dot_general3A_5, %get3A_8 : vector<2000x128xf32>
    %swap3A = arith.constant 0 : index
    %swap3A_9 = arith.constant 0 : index
    %swap3A_10 = vector.load %arg4[%swap3A, %swap3A_9] : memref<2000x128xf32, #tpu.memory_space<vmem>>, vector<2000x128xf32>
    tpu.vector_store %arg4[%swap3A, %swap3A_9], %mul3A {strides = array<i32>} : memref<2000x128xf32, #tpu.memory_space<vmem>>, vector<2000x128xf32>,
    return
  }
  func.func @transform_0(%arg0: i32) -> (i32, i32) {
    %c0_i32 = arith.constant 0 : i32
    %c0_i32_0 = arith.constant 0 : i32
    return %arg0, %c0_i32 : i32, i32
  }
  func.func @transform_1(%arg0: i32) -> (i32, i32) {
    %c0_i32 = arith.constant 0 : i32
    %c0_i32_0 = arith.constant 0 : i32
    %c0_i32_1 = arith.constant 0 : i32
    return %c0_i32, %c0_i32_0 : i32, i32
  }
  func.func @transform_2(%arg0: i32) -> (i32, i32) {
    %c0_i32 = arith.constant 0 : i32
    %c0_i32_0 = arith.constant 0 : i32
    return %arg0, %c0_i32 : i32, i32
  }
  func.func @transform_3(%arg0: i32) -> (i32, i32) {
    %c0_i32 = arith.constant 0 : i32
    %c0_i32_0 = arith.constant 0 : i32
    return %arg0, %c0_i32 : i32, i32
  }
}

module attributes {stable_mosaic.version = 14 : i64} {
  func.func @_mm_mid_body(%arg0: i32, %arg1: memref<2000x128xf32, #tpu.memory_space<vmem>>, %arg2: memref<2000x128xf32, #tpu.memory_space<vmem>>, %arg3: memref<2000x128xf32, #tpu.memory_space<vmem>>, %arg4: memref<2000x128xf32, #tpu.memory_space<vmem>>, %arg5: memref<1x128xf32, #tpu.memory_space<vmem>>, %arg6: memref<128x128xf32, #tpu.memory_space<vmem>>, %arg7: memref<2000x128xf32, #tpu.memory_space<vmem>>, %arg8: memref<2000x128xf32, #tpu.memory_space<vmem>>) attributes {dimension_semantics = [#tpu.dimension_semantics<arbitrary>], iteration_bounds = array<i64: 5>, scalar_prefetch = 0 : i64, scratch_operands = 0 : i64, tpu.core_type = #tpu.core_type<tc>, window_params = [{transform_indices = @transform_0, window_bounds = array<i64: 2000, 128>}, {transform_indices = @transform_1, window_bounds = array<i64: 2000, 128>}, {transform_indices = @transform_2, window_bounds = array<i64: 2000, 128>}, {transform_indices = @transform_3, window_bounds = array<i64: 2000, 128>}, {pipeline_mode = #tpu.pipeline_mode<synchronous>, transform_indices = @transform_4, window_bounds = array<i64: 1, 128>}, {pipeline_mode = #tpu.pipeline_mode<synchronous>, transform_indices = @transform_5, window_bounds = array<i64: 128, 128>}, {transform_indices = @transform_6, window_bounds = array<i64: 2000, 128>}, {transform_indices = @transform_7, window_bounds = array<i64: 2000, 128>}]} {
    %get3A = arith.constant 0 : index
    %get3A_0 = arith.constant 0 : index
    %get3A_1 = vector.load %arg1[%get3A, %get3A_0] : memref<2000x128xf32, #tpu.memory_space<vmem>>, vector<2000x128xf32>
    %get3A_2 = arith.constant 0 : index
    %get3A_3 = arith.constant 0 : index
    %get3A_4 = vector.load %arg2[%get3A_2, %get3A_3] : memref<2000x128xf32, #tpu.memory_space<vmem>>, vector<2000x128xf32>
    %add3A = arith.addf %get3A_1, %get3A_4 : vector<2000x128xf32>
    %get3A_5 = arith.constant 0 : index
    %get3A_6 = arith.constant 0 : index
    %get3A_7 = vector.load %arg3[%get3A_5, %get3A_6] : memref<2000x128xf32, #tpu.memory_space<vmem>>, vector<2000x128xf32>
    %add3A_8 = arith.addf %add3A, %get3A_7 : vector<2000x128xf32>
    %get3A_9 = arith.constant 0 : index
    %get3A_10 = arith.constant 0 : index
    %get3A_11 = vector.load %arg4[%get3A_9, %get3A_10] : memref<2000x128xf32, #tpu.memory_space<vmem>>, vector<2000x128xf32>
    %mul3A = arith.mulf %add3A_8, %get3A_11 : vector<2000x128xf32>
    %get3A_12 = arith.constant 0 : index
    %get3A_13 = arith.constant 0 : index
    %get3A_14 = vector.load %arg5[%get3A_12, %get3A_13] : memref<1x128xf32, #tpu.memory_space<vmem>>, vector<1x128xf32>
    %add3A_15 = vector.broadcast %get3A_14 : vector<1x128xf32> to vector<2000x128xf32>
    %add3A_16 = arith.addf %mul3A, %add3A_15 : vector<2000x128xf32>
    %max3A = arith.constant 0.000000e+00 : f32
    %max3A_17 = vector.broadcast %max3A : f32 to vector<2000x128xf32>
    %max3A_18 = arith.maximumf %add3A_16, %max3A_17 : vector<2000x128xf32>
    %get3A_19 = arith.constant 0 : index
    %get3A_20 = arith.constant 0 : index
    %get3A_21 = vector.load %arg6[%get3A_19, %get3A_20] : memref<128x128xf32, #tpu.memory_space<vmem>>, vector<128x128xf32>
    %dot_general3A = arith.constant dense<0.000000e+00> : vector<2000x128xf32>
    %dot_general3A_22 = tpu.matmul %max3A_18, %get3A_21, %dot_general3A {dimension_numbers = #tpu.dot_dimension_numbers<[1], [0], [0], [1], [0, 0, 1, 1], [], []>, transpose_lhs_hint = false} : vector<2000x128xf32>, vector<128x128xf32>, vector<2000x128xf32> -> vector<2000x128xf32>
    %get3A_23 = arith.constant 0 : index
    %get3A_24 = arith.constant 0 : index
    %get3A_25 = vector.load %arg7[%get3A_23, %get3A_24] : memref<2000x128xf32, #tpu.memory_space<vmem>>, vector<2000x128xf32>
    %mul3A_26 = arith.mulf %dot_general3A_22, %get3A_25 : vector<2000x128xf32>
    %swap3A = arith.constant 0 : index
    %swap3A_27 = arith.constant 0 : index
    %swap3A_28 = vector.load %arg8[%swap3A, %swap3A_27] : memref<2000x128xf32, #tpu.memory_space<vmem>>, vector<2000x128xf32>
    tpu.vector_store %arg8[%swap3A, %swap3A_27], %mul3A_26 {strides = array<i32>} : memref<2000x128xf32, #tpu.memory_space<vmem>>, vector<2000x128xf32>,
    return
  }
  func.func @transform_0(%arg0: i32) -> (i32, i32) {
    %c0_i32 = arith.constant 0 : i32
    %c0_i32_0 = arith.constant 0 : i32
    return %arg0, %c0_i32 : i32, i32
  }
  func.func @transform_1(%arg0: i32) -> (i32, i32) {
    %c0_i32 = arith.constant 0 : i32
    %c0_i32_0 = arith.constant 0 : i32
    return %arg0, %c0_i32 : i32, i32
  }
  func.func @transform_2(%arg0: i32) -> (i32, i32) {
    %c0_i32 = arith.constant 0 : i32
    %c0_i32_0 = arith.constant 0 : i32
    return %arg0, %c0_i32 : i32, i32
  }
  func.func @transform_3(%arg0: i32) -> (i32, i32) {
    %c0_i32 = arith.constant 0 : i32
    %c0_i32_0 = arith.constant 0 : i32
    return %arg0, %c0_i32 : i32, i32
  }
  func.func @transform_4(%arg0: i32) -> (i32, i32) {
    %c0_i32 = arith.constant 0 : i32
    %c0_i32_0 = arith.constant 0 : i32
    %c0_i32_1 = arith.constant 0 : i32
    return %c0_i32, %c0_i32_0 : i32, i32
  }
  func.func @transform_5(%arg0: i32) -> (i32, i32) {
    %c0_i32 = arith.constant 0 : i32
    %c0_i32_0 = arith.constant 0 : i32
    %c0_i32_1 = arith.constant 0 : i32
    return %c0_i32, %c0_i32_0 : i32, i32
  }
  func.func @transform_6(%arg0: i32) -> (i32, i32) {
    %c0_i32 = arith.constant 0 : i32
    %c0_i32_0 = arith.constant 0 : i32
    return %arg0, %c0_i32 : i32, i32
  }
  func.func @transform_7(%arg0: i32) -> (i32, i32) {
    %c0_i32 = arith.constant 0 : i32
    %c0_i32_0 = arith.constant 0 : i32
    return %arg0, %c0_i32 : i32, i32
  }
}

module attributes {stable_mosaic.version = 14 : i64} {
  func.func @_mm_mid_body(%arg0: i32, %arg1: memref<2000x128xf32, #tpu.memory_space<vmem>>, %arg2: memref<2000x128xf32, #tpu.memory_space<vmem>>, %arg3: memref<2000x128xf32, #tpu.memory_space<vmem>>, %arg4: memref<2000x128xf32, #tpu.memory_space<vmem>>, %arg5: memref<1x128xf32, #tpu.memory_space<vmem>>, %arg6: memref<128x16xf32, #tpu.memory_space<vmem>>, %arg7: memref<2000x16xf32, #tpu.memory_space<vmem>>, %arg8: memref<2000x16xf32, #tpu.memory_space<vmem>>) attributes {dimension_semantics = [#tpu.dimension_semantics<arbitrary>], iteration_bounds = array<i64: 5>, scalar_prefetch = 0 : i64, scratch_operands = 0 : i64, tpu.core_type = #tpu.core_type<tc>, window_params = [{transform_indices = @transform_0, window_bounds = array<i64: 2000, 128>}, {transform_indices = @transform_1, window_bounds = array<i64: 2000, 128>}, {transform_indices = @transform_2, window_bounds = array<i64: 2000, 128>}, {transform_indices = @transform_3, window_bounds = array<i64: 2000, 128>}, {pipeline_mode = #tpu.pipeline_mode<synchronous>, transform_indices = @transform_4, window_bounds = array<i64: 1, 128>}, {pipeline_mode = #tpu.pipeline_mode<synchronous>, transform_indices = @transform_5, window_bounds = array<i64: 128, 16>}, {transform_indices = @transform_6, window_bounds = array<i64: 2000, 16>}, {transform_indices = @transform_7, window_bounds = array<i64: 2000, 16>}]} {
    %get3A = arith.constant 0 : index
    %get3A_0 = arith.constant 0 : index
    %get3A_1 = vector.load %arg1[%get3A, %get3A_0] : memref<2000x128xf32, #tpu.memory_space<vmem>>, vector<2000x128xf32>
    %get3A_2 = arith.constant 0 : index
    %get3A_3 = arith.constant 0 : index
    %get3A_4 = vector.load %arg2[%get3A_2, %get3A_3] : memref<2000x128xf32, #tpu.memory_space<vmem>>, vector<2000x128xf32>
    %add3A = arith.addf %get3A_1, %get3A_4 : vector<2000x128xf32>
    %get3A_5 = arith.constant 0 : index
    %get3A_6 = arith.constant 0 : index
    %get3A_7 = vector.load %arg3[%get3A_5, %get3A_6] : memref<2000x128xf32, #tpu.memory_space<vmem>>, vector<2000x128xf32>
    %add3A_8 = arith.addf %add3A, %get3A_7 : vector<2000x128xf32>
    %get3A_9 = arith.constant 0 : index
    %get3A_10 = arith.constant 0 : index
    %get3A_11 = vector.load %arg4[%get3A_9, %get3A_10] : memref<2000x128xf32, #tpu.memory_space<vmem>>, vector<2000x128xf32>
    %mul3A = arith.mulf %add3A_8, %get3A_11 : vector<2000x128xf32>
    %get3A_12 = arith.constant 0 : index
    %get3A_13 = arith.constant 0 : index
    %get3A_14 = vector.load %arg5[%get3A_12, %get3A_13] : memref<1x128xf32, #tpu.memory_space<vmem>>, vector<1x128xf32>
    %add3A_15 = vector.broadcast %get3A_14 : vector<1x128xf32> to vector<2000x128xf32>
    %add3A_16 = arith.addf %mul3A, %add3A_15 : vector<2000x128xf32>
    %max3A = arith.constant 0.000000e+00 : f32
    %max3A_17 = vector.broadcast %max3A : f32 to vector<2000x128xf32>
    %max3A_18 = arith.maximumf %add3A_16, %max3A_17 : vector<2000x128xf32>
    %get3A_19 = arith.constant 0 : index
    %get3A_20 = arith.constant 0 : index
    %get3A_21 = vector.load %arg6[%get3A_19, %get3A_20] : memref<128x16xf32, #tpu.memory_space<vmem>>, vector<128x16xf32>
    %dot_general3A = arith.constant dense<0.000000e+00> : vector<2000x16xf32>
    %dot_general3A_22 = tpu.matmul %max3A_18, %get3A_21, %dot_general3A {dimension_numbers = #tpu.dot_dimension_numbers<[1], [0], [0], [1], [0, 0, 1, 1], [], []>, transpose_lhs_hint = false} : vector<2000x128xf32>, vector<128x16xf32>, vector<2000x16xf32> -> vector<2000x16xf32>
    %get3A_23 = arith.constant 0 : index
    %get3A_24 = arith.constant 0 : index
    %get3A_25 = vector.load %arg7[%get3A_23, %get3A_24] : memref<2000x16xf32, #tpu.memory_space<vmem>>, vector<2000x16xf32>
    %mul3A_26 = arith.mulf %dot_general3A_22, %get3A_25 : vector<2000x16xf32>
    %swap3A = arith.constant 0 : index
    %swap3A_27 = arith.constant 0 : index
    %swap3A_28 = vector.load %arg8[%swap3A, %swap3A_27] : memref<2000x16xf32, #tpu.memory_space<vmem>>, vector<2000x16xf32>
    tpu.vector_store %arg8[%swap3A, %swap3A_27], %mul3A_26 {strides = array<i32>} : memref<2000x16xf32, #tpu.memory_space<vmem>>, vector<2000x16xf32>,
    return
  }
  func.func @transform_0(%arg0: i32) -> (i32, i32) {
    %c0_i32 = arith.constant 0 : i32
    %c0_i32_0 = arith.constant 0 : i32
    return %arg0, %c0_i32 : i32, i32
  }
  func.func @transform_1(%arg0: i32) -> (i32, i32) {
    %c0_i32 = arith.constant 0 : i32
    %c0_i32_0 = arith.constant 0 : i32
    return %arg0, %c0_i32 : i32, i32
  }
  func.func @transform_2(%arg0: i32) -> (i32, i32) {
    %c0_i32 = arith.constant 0 : i32
    %c0_i32_0 = arith.constant 0 : i32
    return %arg0, %c0_i32 : i32, i32
  }
  func.func @transform_3(%arg0: i32) -> (i32, i32) {
    %c0_i32 = arith.constant 0 : i32
    %c0_i32_0 = arith.constant 0 : i32
    return %arg0, %c0_i32 : i32, i32
  }
  func.func @transform_4(%arg0: i32) -> (i32, i32) {
    %c0_i32 = arith.constant 0 : i32
    %c0_i32_0 = arith.constant 0 : i32
    %c0_i32_1 = arith.constant 0 : i32
    return %c0_i32, %c0_i32_0 : i32, i32
  }
  func.func @transform_5(%arg0: i32) -> (i32, i32) {
    %c0_i32 = arith.constant 0 : i32
    %c0_i32_0 = arith.constant 0 : i32
    %c0_i32_1 = arith.constant 0 : i32
    return %c0_i32, %c0_i32_0 : i32, i32
  }
  func.func @transform_6(%arg0: i32) -> (i32, i32) {
    %c0_i32 = arith.constant 0 : i32
    %c0_i32_0 = arith.constant 0 : i32
    return %arg0, %c0_i32 : i32, i32
  }
  func.func @transform_7(%arg0: i32) -> (i32, i32) {
    %c0_i32 = arith.constant 0 : i32
    %c0_i32_0 = arith.constant 0 : i32
    return %arg0, %c0_i32 : i32, i32
  }
}

module attributes {stable_mosaic.version = 14 : i64} {
  func.func @_combine_body(%arg0: i32, %arg1: memref<2000x16xf32, #tpu.memory_space<vmem>>, %arg2: memref<2000x16xf32, #tpu.memory_space<vmem>>, %arg3: memref<2000x16xf32, #tpu.memory_space<vmem>>, %arg4: memref<2000x16xf32, #tpu.memory_space<vmem>>, %arg5: memref<1x16xf32, #tpu.memory_space<vmem>>, %arg6: memref<2000x16xf32, #tpu.memory_space<vmem>>) attributes {dimension_semantics = [#tpu.dimension_semantics<arbitrary>], iteration_bounds = array<i64: 5>, scalar_prefetch = 0 : i64, scratch_operands = 0 : i64, tpu.core_type = #tpu.core_type<tc>, window_params = [{transform_indices = @transform_0, window_bounds = array<i64: 2000, 16>}, {transform_indices = @transform_1, window_bounds = array<i64: 2000, 16>}, {transform_indices = @transform_2, window_bounds = array<i64: 2000, 16>}, {transform_indices = @transform_3, window_bounds = array<i64: 2000, 16>}, {pipeline_mode = #tpu.pipeline_mode<synchronous>, transform_indices = @transform_4, window_bounds = array<i64: 1, 16>}, {transform_indices = @transform_5, window_bounds = array<i64: 2000, 16>}]} {
    %get3A = arith.constant 0 : index
    %get3A_0 = arith.constant 0 : index
    %get3A_1 = vector.load %arg1[%get3A, %get3A_0] : memref<2000x16xf32, #tpu.memory_space<vmem>>, vector<2000x16xf32>
    %get3A_2 = arith.constant 0 : index
    %get3A_3 = arith.constant 0 : index
    %get3A_4 = vector.load %arg2[%get3A_2, %get3A_3] : memref<2000x16xf32, #tpu.memory_space<vmem>>, vector<2000x16xf32>
    %add3A = arith.addf %get3A_1, %get3A_4 : vector<2000x16xf32>
    %get3A_5 = arith.constant 0 : index
    %get3A_6 = arith.constant 0 : index
    %get3A_7 = vector.load %arg3[%get3A_5, %get3A_6] : memref<2000x16xf32, #tpu.memory_space<vmem>>, vector<2000x16xf32>
    %add3A_8 = arith.addf %add3A, %get3A_7 : vector<2000x16xf32>
    %get3A_9 = arith.constant 0 : index
    %get3A_10 = arith.constant 0 : index
    %get3A_11 = vector.load %arg4[%get3A_9, %get3A_10] : memref<2000x16xf32, #tpu.memory_space<vmem>>, vector<2000x16xf32>
    %mul3A = arith.mulf %add3A_8, %get3A_11 : vector<2000x16xf32>
    %get3A_12 = arith.constant 0 : index
    %get3A_13 = arith.constant 0 : index
    %get3A_14 = vector.load %arg5[%get3A_12, %get3A_13] : memref<1x16xf32, #tpu.memory_space<vmem>>, vector<1x16xf32>
    %add3A_15 = vector.broadcast %get3A_14 : vector<1x16xf32> to vector<2000x16xf32>
    %add3A_16 = arith.addf %mul3A, %add3A_15 : vector<2000x16xf32>
    %swap3A = arith.constant 0 : index
    %swap3A_17 = arith.constant 0 : index
    %swap3A_18 = vector.load %arg6[%swap3A, %swap3A_17] : memref<2000x16xf32, #tpu.memory_space<vmem>>, vector<2000x16xf32>
    tpu.vector_store %arg6[%swap3A, %swap3A_17], %add3A_16 {strides = array<i32>} : memref<2000x16xf32, #tpu.memory_space<vmem>>, vector<2000x16xf32>,
    return
  }
  func.func @transform_0(%arg0: i32) -> (i32, i32) {
    %c0_i32 = arith.constant 0 : i32
    %c0_i32_0 = arith.constant 0 : i32
    return %arg0, %c0_i32 : i32, i32
  }
  func.func @transform_1(%arg0: i32) -> (i32, i32) {
    %c0_i32 = arith.constant 0 : i32
    %c0_i32_0 = arith.constant 0 : i32
    return %arg0, %c0_i32 : i32, i32
  }
  func.func @transform_2(%arg0: i32) -> (i32, i32) {
    %c0_i32 = arith.constant 0 : i32
    %c0_i32_0 = arith.constant 0 : i32
    return %arg0, %c0_i32 : i32, i32
  }
  func.func @transform_3(%arg0: i32) -> (i32, i32) {
    %c0_i32 = arith.constant 0 : i32
    %c0_i32_0 = arith.constant 0 : i32
    return %arg0, %c0_i32 : i32, i32
  }
  func.func @transform_4(%arg0: i32) -> (i32, i32) {
    %c0_i32 = arith.constant 0 : i32
    %c0_i32_0 = arith.constant 0 : i32
    %c0_i32_1 = arith.constant 0 : i32
    return %c0_i32, %c0_i32_0 : i32, i32
  }
  func.func @transform_5(%arg0: i32) -> (i32, i32) {
    %c0_i32 = arith.constant 0 : i32
    %c0_i32_0 = arith.constant 0 : i32
    return %arg0, %c0_i32 : i32, i32
  }
}

</mosaic_0001>

<sc_bundles>
// kernel: kernel.11.cloned.1.call-start
scs
__scs_entry_jumppad:
0x0: {  	(pc) =	sbr.rel $0x88, $3  }
0x1: {  	(tag) =	ssettag $0x0;
	lr =	simm.s32 $0x1  }
0x2: {  	[smem:$0x3F99] =	sst lr;
	_ =	strace $0xD0000000  }
0x3: {  	_ = 	snop  }
0x4: {  	_ = 	snop  }
0x5: {  	_ = 	snop  }
0x6: {  	_ = 	snop  }
0x7: {  	_ = 	snop  }
__scs_overlays_trampoline_lowered:
0x8: {  	[smem:$0x3FA8] =	sst s0  }
0x9: {  	[smem:$0x3FA9] =	sst s1  }
0xa: {  	[smem:$0x3FAA] =	sst s2  }
0xb: {  	[smem:$0x3FAB] =	sst s3  }
0xc: {  	[smem:$0x3FAC] =	sst s4  }
0xd: {  	[smem:$0x3FAD] =	sst s5  }
0xe: {  	[smem:$0x3FAE] =	sst s6  }
0xf: {  	[smem:$0x3FAF] =	sst s7  }
0x10: {  	[smem:$0x3FB0] =	sst s8  }
0x11: {  	[smem:$0x3FB1] =	sst s9;
	s0 =	simm.s32 @!p0 $0x0  }
0x12: {  	s1 =	sld [smem:$0x3F97];
	s0 =	simm.s32 @p0 $0x1  }
0x13: {  	[smem:$0x3FB2] =	sst s0;
	s0 =	simm.s32 @!p1 $0x0  }
0x14: {  	s2 =	sld [smem:$0x3F96];
	s0 =	simm.s32 @p1 $0x1  }
0x15: {  	[smem:$0x3FB3] =	sst s0;
	s0 =	simm.s32 @!p2 $0x0  }
0x16: {  	s3 =	sld [smem:$0x3FDB];
	s0 =	simm.s32 @p2 $0x1  }
0x17: {  	s4 =	simm.s32 $0x1BF5;
	[smem:$0x3FB5] =	sst s0  }
0x18: {  	s0 =	sld [smem:$0x3F98];
	_ =	swait.ge [sflag:s4], $0x0  }
0x19: {  	s7 =	sld [smem:$0x3F99]  }
0x1a: {  	s8 =	sadd.s32 $0xFFFFE003, lr  }
0x1b: {  	s9 =	sadd.s32 $0xFFFFFEF7, lr;
	s5 =	simm.s32 $0xFFFFFFFF;
	p2 =	slt.u32 s8, $0xFFFFF086  }
0x1c: {  	p1 =	slt.u32 s9, $0xF7A;
	s5 =	simm.s32 @!p2 $0x0  }
0x1d: {  	s5 =	simm.s32 @p1 $0x1;
	p0 =	seq.s32 s7, s2  }
0x1e: {  	s7 =	smul.u32 @!p0 $0xF7A, s2;
	p2 =	seq.s32 @!p0 s5, $0x0  }
0x1f: {  	s9 =	smul.u32 $0xF7A, s1;
	s8 =	simm.s32 @!p0 $0x1BF5;
	p2 =	por !p2, p0  }
0x20: {  	[sflag:s8] =	ssyncset.s32 @!p0 $0xFFFFF086;
	s6 =	sadd.s32 @!p0 s3, s7;
	s7 =	simm.s32 @!p0 $0x108  }
0x21: {  	s3 =	sadd.s32 s3, s9;
	s6 =	sadd.s32 @!p0 $0x88, s6;
	s7 =	simm.s32 @p2 $0x1082  }
0x22: {  	[simem:s7], [sflag:s8] =	dma.local @!p0 [hbm:s6], $0xF7A  }
0x23: {  	s9 =	sor.u32 $0xD0000000, s2;
	s6 =	simm.s32 $0x108;
	_ =	swait.ge @!p0 [sflag:s8], $0x0  }
0x24: {  	s3 =	sadd.s32 $0x88, s3;
	s6 =	simm.s32 @!p1 $0x1082;
	[sflag:s4] =	ssyncset.s32 $0xFFFFF086  }
0x25: {  	[simem:s6], [sflag:s4] =	dma.local [hbm:s3], $0xF7A  }
0x26: {  	[smem:$0x3F99] =	sst s1;
	(tag) =	ssettag s2;
	_ =	strace s9  }
0x27: {  	s1 =	sld [smem:$0x3FA9]  }
0x28: {  	s2 =	sld [smem:$0x3FAA]  }
0x29: {  	s4 =	sld [smem:$0x3FAC]  }
0x2a: {  	p0 =	seq.s32 s5, $0x0;
	s5 =	sld [smem:$0x3FAD]  }
0x2b: {  	s6 =	sld [smem:$0x3FAE]  }
0x2c: {  	s7 =	sld [smem:$0x3FAF]  }
0x2d: {  	s3 =	simm.s32 $0x108;
	s8 =	sld [smem:$0x3FB0]  }
0x2e: {  	s3 =	simm.s32 @!p0 $0x1082;
	s9 =	sld [smem:$0x3FB1]  }
0x2f: {  	lr =	sadd.s32 s0, s3;
	s0 =	sld [smem:$0x3FA8]  }
0x30: {  	s3 =	sld [smem:$0x3FAB]  }
0x31: {  	[smem:$0x3FB4] =	sst s10  }
0x32: {  	s10 =	sld [smem:$0x3FB2];
	_ =	sdelay $0x3  }
0x33: {  	p0 =	seq.s32 s10, $0x1;
	s10 =	sld [smem:$0x3FB4];
	_ =	sdelay $0x3  }
0x34: {  	[smem:$0x3FB4] =	sst s10  }
0x35: {  	s10 =	sld [smem:$0x3FB3];
	_ =	sdelay $0x3  }
0x36: {  	p1 =	seq.s32 s10, $0x1;
	s10 =	sld [smem:$0x3FB4];
	_ =	sdelay $0x3  }
0x37: {  	[smem:$0x3FB4] =	sst s10  }
0x38: {  	s10 =	sld [smem:$0x3FB5]  }
0x39: {  	_ = 	snop;
	(pc) =	sbr.ind lr, $3  }
0x3a: {  	_ = 	snop  }
0x3b: {  	_ = 	snop  }
0x3c: {  	p2 =	seq.s32 s10, $0x1;
	s10 =	sld [smem:$0x3FB4]  }
0x3d: {  	_ =	shalt  }
0x3e: {  	_ =	shalt  }
0x3f: {  	_ =	shalt  }
0x40: {  	_ =	shalt  }
0x41: {  	_ =	shalt  }
0x42: {  	_ =	shalt  }
0x43: {  	_ =	shalt  }
0x44: {  	_ =	shalt  }
0x45: {  	_ =	shalt  }
0x46: {  	_ =	shalt  }
0x47: {  	_ =	shalt  }
0x48: {  	_ =	shalt  }
0x49: {  	_ =	shalt  }
0x4a: {  	_ =	shalt  }
0x4b: {  	_ =	shalt  }
0x4c: {  	_ =	shalt  }
0x4d: {  	_ =	shalt  }
0x4e: {  	_ =	shalt  }
0x4f: {  	_ =	shalt  }
0x50: {  	_ =	shalt  }
0x51: {  	_ =	shalt  }
0x52: {  	_ =	shalt  }
0x53: {  	_ =	shalt  }
0x54: {  	_ =	shalt  }
0x55: {  	_ =	shalt  }
0x56: {  	_ =	shalt  }
0x57: {  	_ =	shalt  }
0x58: {  	_ =	shalt  }
0x59: {  	_ =	shalt  }
0x5a: {  	_ =	shalt  }
0x5b: {  	_ =	shalt  }
0x5c: {  	_ =	shalt  }
0x5d: {  	_ =	shalt  }
0x5e: {  	_ =	shalt  }
0x5f: {  	_ =	shalt  }
0x60: {  	_ =	shalt  }
0x61: {  	_ =	shalt  }
0x62: {  	_ =	shalt  }
0x63: {  	_ =	shalt  }
0x64: {  	_ =	shalt  }
0x65: {  	_ =	shalt  }
0x66: {  	_ =	shalt  }
0x67: {  	_ =	shalt  }
0x68: {  	_ =	shalt  }
0x69: {  	_ =	shalt  }
0x6a: {  	_ =	shalt  }
0x6b: {  	_ =	shalt  }
0x6c: {  	_ =	shalt  }
0x6d: {  	_ =	shalt  }
0x6e: {  	_ =	shalt  }
0x6f: {  	_ =	shalt  }
0x70: {  	_ =	shalt  }
0x71: {  	_ =	shalt  }
0x72: {  	_ =	shalt  }
0x73: {  	_ =	shalt  }
0x74: {  	_ =	shalt  }
0x75: {  	_ =	shalt  }
0x76: {  	_ =	shalt  }
0x77: {  	_ =	shalt  }
0x78: {  	_ =	shalt  }
0x79: {  	_ =	shalt  }
0x7a: {  	_ =	shalt  }
0x7b: {  	_ =	shalt  }
0x7c: {  	_ =	shalt  }
0x7d: {  	_ =	shalt  }
0x7e: {  	_ =	shalt  }
0x7f: {  	_ =	shalt  }
0x80: {  	_ =	shalt  }
0x81: {  	_ =	shalt  }
0x82: {  	_ =	shalt  }
0x83: {  	_ =	shalt  }
0x84: {  	_ =	shalt  }
0x85: {  	_ =	shalt  }
0x86: {  	_ =	shalt  }
0x87: {  	_ =	shalt  }
.Lfunc_end0:
.L_simem_size_0:
called_computation_lowered:
.L_overlay_start_0:
0x88: {  	s2 =	sld [smem:$0x3FD9]  }
0x89: {  	s3 =	sld [smem:$0x3FFE];
	_ =	sdelay $0x1  }
0x8a: {  	s1 =	srdreg.scid  }
0x8b: {  	s0 =	sand.u32 $0x1, s1  }
0x8c: {  	s17 =	sshll.u32 s0, $0xA;
	s2 =	sadd.s32 s3, s2  }
0x8d: {  	s2 =	sadd.s32 s2, s17  }
0x8e: {  	[smem:$0x3FC0] =	sst s2  }
0x8f: {  	_ = 	snop  }
0x90: {  	s2 =	sld [smem:$0x3FD0];
	(tm) =	ssettm $0x1  }
0x91: {  	s18 =	sld [smem:$0x3FFB];
	_ =	sdelay $0x3  }
0x92: {  	_ =	strace s18  }
0x93: {  	s3 =	sld [smem:$0x3FFC];
	_ =	sdelay $0x3  }
0x94: {  	_ =	strace s3  }
0x95: {  	s3 =	sld [smem:$0x3FFD];
	_ =	sdelay $0x3  }
0x96: {  	_ =	strace s3  }
0x97: {  	_ =	strace $0x8FFFFFFF  }
0x98: {  	s19 =	sld [smem:$0x3FDB];
	_ =	sdelay $0x1  }
0x99: {  	s4 =	simm.s32 $_scs_section_size  }
0x9a: {  	s5 =	simm.s32 $_size__tile_overlayer_lowered;
	s6 =	simm.s32 $_tile_overlayer_lowered  }
0x9b: {  	s22 =	simm.s32 $0x1BFF;
	s21 =	sshll.u32 s6, $0x1;
	s3 =	sadd.s32 s4, s19  }
0x9c: {  	s7 =	simm.s32 $0x0;
	s20 =	sshll.u32 s5, $0x1;
	s5 =	sadd.s32 s21, s3  }
0x9d: {  	[timem:s7], [sflag:s22] =	dma.local [hbm:s5], s20  }
0x9e: {  	_ =	swait.ge [sflag:s22], s20  }
0x9f: {  	s4 =	ssub.s32 $0x0, s20;
	[sflag:s22] =	ssyncset.done $0x0  }
0xa0: {  	[sflag:s22] =	ssyncadd.s32 s4;
	_ =	sdelay $0x1  }
0xa1: {  	s23 =	simm.s32 $0x1B8B  }
0xa2: {  	_ =	swait.ge [sflag:s23], $0x1  }
0xa3: {  	[sflag:s23] =	ssyncset.done $0x0  }
0xa4: {  	s25 =	simm.s32 $0x1B8E;
	s24 =	sld [smem:$0x3FFE];
	[sflag:s23] =	ssyncadd.s32 $0xFFFFFFFF  }
0xa5: {  	s26 =	simm.s32 $execute0_lowered;
	[smem:$0x3FD2] =	sst s25  }
0xa6: {  	s5 =	sshll.u32 s26, $0x1;
	_ =	strace $0x80000046;
	[dreg:$0x1] =	wrdreg $0xFFFFFFFF  }
0xa7: {  	s28 =	simm.s32 $_size_execute0_lowered;
	s3 =	sadd.s32 s3, s5;
	[dreg:$0x0] =	wrdreg $0x0  }
0xa8: {  	s5 =	sshll.u32 s28, $0x1;
	[dreg:$0x2] =	wrdreg s3  }
0xa9: {  	[dreg:$0x3] =	wrdreg s5  }
0xaa: {  	[dreg:$0x4] =	wrdreg $0xC0  }
0xab: {  	_ =	task [dreg:s7], $0x5FFFF  }
0xac: {  	[dreg:$0x1] =	wrdreg $0xFFFFFFFF  }
0xad: {  	[dreg:$0x0] =	wrdreg $0x60  }
0xae: {  	[dreg:$0x2] =	wrdreg s24  }
0xaf: {  	[dreg:$0x3] =	wrdreg s2  }
0xb0: {  	[dreg:$0x4] =	wrdreg $0x2C100  }
0xb1: {  	[dreg:$0x5] =	wrdreg $0x9  }
0xb2: {  	_ =	task.clear_ibuf [dreg:s7], $0x6FFFF;
	_ =	strace $0x90000046  }
0xb3: {  	s29 =	simm.s32 $0x9;
	_ =	strace $0x80000048  }
0xb4: {  	_ =	swait.ge [sflag:s29], $0x1  }
0xb5: {  	[sflag:s29] =	ssyncadd.s32 $0xFFFFFFFF  }
0xb6: {  	_ =	strace $0x90000048  }
0xb7: {  	_ =	sfence  }
0xb8: {  	s30 =	sld [smem:$0x0];
	_ =	sdelay $0x2  }
0xb9: {  	s31 =	sshll.u32 s1, $0xD;
	s1 =	sshrl.u32 s1, $0x2  }
0xba: {  	s3 =	sand.u32 $0x4000, s31;
	s1 =	sadd.s32 s1, s30  }
0xbb: {  	s0 =	sor.u32 s3, s0;
	s1 =	sshll.u32 s1, $0x11  }
0xbc: {  	s0 =	sor.u32 s1, s0  }
0xbd: {  	s0 =	sadd.s32 $0x8F2B, s0  }
0xbe: {  	[sflag:s0] =	ssyncadd.remote.s32 $0x1  }
0xbf: {  	_ =	sfence.sel $0xFFFF  }
0xc0: {  	[dreg:$0x0] =	wrdreg $0xFFFFFFFF;
	(pc) =	sbr.abs _section_cstart, $3  }
0xc1: {  	[dreg:$0x1] =	wrdreg $0xFFFFFFFF  }
0xc2: {  	_ =	task.clear_ibuf [dreg:s7], $0x2FFFF;
	_ =	strace $0x9FFFFFFF  }
0xc3: {  	(tm) =	ssettm $0x7FFFFFFF  }
tec
execute0_lowered:
.L_overlay_start_1:
0x0: {  	(tag) =	ssettag $0x1  }
0x1: {  	s0 =	srdreg.scid;
	s7 =	rddreg [dreg:$0x0]  }
0x2: {  	s2 =	rddreg [dreg:$0x1];
	s6 =	sand.u32 $0x1, s0;
	s0 =	stileid.u32  }
0x3: {  	s3 =	rddreg [dreg:$0x2];
	s4 =	simm.s32 $0x0;
	s8 =	smul.u32 $0x500, s0  }
0x4: {  	s13 =	simm.s32 $0x50;
	s14 =	simm.s32 $0x0;
	s9 =	smul.u32 $0x5000, s6  }
0x5: {  	[smem:$0x7FF] =	sst s4;
	s1 =	sshll.u32 s6, $0x4;
	s11 =	smul.u32 $0xA000, s0  }
0x6: {  	s6 =	ssub.s32 $0x2, s6;
	s31 =	sshll.u32 s0, $0x6;
	s1 =	sor.u32 s0, s1  }
0x7: {  	s28 =	sshrl.u32 s6, $0x1;
	s5 =	smul.u32 $0x4E2, s1;
	s1 =	rddreg [dreg:$0x3]  }
0x8: {  	_ =	strace $0x80000047;
	s8 =	sadd.s32 s8, s9;
	s29 =	sshrl.u32 s11, $0x2  }
0x9: {  	s30 =	ssub.s32 s6, s28;
	s6 =	sor.u32 $0x1C01, s31;
	s11 =	simm.s32 $0x1  }
0xa: {  	s8 =	sadd.s32 s8, s7;
	s12 =	sadd.s32 s29, s3;
	s9 =	smax.u32 s30, $0x1  }
0xb: {  	s10 =	sadd.s32 s5, s7;
	s5 =	sadd.s32 $0x16400, s7;
	s8 =	sadd.s32 $0x16600, s8  }
0xc: {  	s7 =	sadd.s32 $0xC600, s10;
	s10 =	sshrl.u32 s12, $0x3;
	s12 =	simm.s32 $0x2710  }
.LBB2_1:
0xd: {  	[spmem:s10], [sflag:s6] =	dma.local [hbm:s2], $0x500  }
0xe: {  	_ =	swait.ge [sflag:s11], $0x500  }
0xf: {  	[sflag:s11] =	ssyncset.done $0x0  }
0x10: {  	[sflag:s11] =	ssyncadd.s32 $0xFFFFFB00  }
0x11: {  	[tilespmem:s4], [sflag:$0x1] =	stream.linear.gather [hbm4b:s7+s4], $0x2710, $0x38;
	[tilespmem:$0x5410] =	vst v63  }
0x12: {  	_ =	swait.ge [sflag:s11], $0x2710  }
0x13: {  	[sflag:s11] =	ssyncset.done $0x0  }
0x14: {  	[sflag:s11] =	ssyncadd.s32 $0xFFFFD8F0  }
0x15: {  	[tilespmem:s12], [sflag:$0x1] =	stream.linear.gather [hbm4b:s5+s4], $0x500, $0x38;
	[tilespmem:$0x5410] =	vst v63  }
0x16: {  	_ =	swait.ge [sflag:s11], $0x500  }
0x17: {  	[sflag:s11] =	ssyncset.done $0x0  }
0x18: {  	[sflag:s11] =	ssyncadd.s32 $0xFFFFFB00  }
0x19: {  	s15 =	simm.s32 $0x0;
	[bflag:$0x0] =	sbarrier.arrive $0xFFFF  }
0x1a: {  	[spmem:s3] =	stream.indirect.scatter.add.f32 [tilespmem:s12], [sflag:$0x1], $0x10, s15, s13, $0xb8;
	[tilespmem:$0x5410] =	vst v63  }
0x1b: {  	_ =	swait.ge [sflag:s11], $0x500  }
0x1c: {  	s15 =	simm.s32 $0x140;
	[sflag:s11] =	ssyncset.done $0x0  }
.LBB2_2:
0x1d: {  	s16 =	sshra.s32 s15, $0x2;
	[sflag:s11] =	ssyncadd.s32 $0xFFFFFB00;
	p0 =	sne.s32 s15, $0x9B00  }
0x1e: {  	[spmem:s3] =	stream.indirect.scatter.add.f32 [tilespmem:s12], [sflag:$0x1], $0x10, s16, s13, $0xb8;
	[tilespmem:$0x5410] =	vst v63  }
.Ltmp0:
0x1f: {  	_ = 	snop;
	(pc) =	sbr.rel @p0 .LBB2_2-.Ltmp0, $4  }
0x20: {  	_ = 	snop  }
0x21: {  	s15 =	sadd.s32 $0x140, s15  }
0x22: {  	_ =	swait.ge [sflag:s11], $0x500  }
0x23: {  	[sflag:s11] =	ssyncset.done $0x0  }
0x24: {  	s14 =	sadd.s32 $0x1, s14  }
0x25: {  	[sflag:s11] =	ssyncadd.s32 $0xFFFFFB00;
	p0 =	sne.s32 s14, s9  }
.Ltmp1:
0x26: {  	[bflag:$0x0] =	sbarrier.arrive $0xFFFF;
	(pc) =	sbr.rel @p0 .LBB2_1-.Ltmp1, $4  }
0x27: {  	[hbm:s8], [sflag:s6] =	dma.local [spmem:s10], $0x500  }
0x28: {  	_ =	swait.ge [sflag:s11], $0x500  }
0x29: {  	[sflag:s11] =	ssyncset.done $0x0  }
0x2a: {  	[sflag:s11] =	ssyncadd.s32 $0xFFFFFB00  }
0x2b: {  	_ =	sfence.sel $0x180000  }
0x2c: {  	[bflag:$0x0] =	sbarrier.arrive $0xFFFF  }
0x2d: {  	p0 =	sne.s32 s0, $0x0;
	_ =	strace $0x90000047  }
0x2e: {  	s0 =	sadd.s32 @!p0 $0x100000, s1;
	[bflag:$0x2] =	sbarrier.arrive $0xFFFF  }
0x2f: {  	[sflag:s0] =	ssyncadd.tile.s32 @!p0 $0x1;
	_ =	shalt  }
.Lfunc_end2:
_tile_overlayer_lowered:
.L_overlay_start_2:
0x30: {  	(tag) =	ssettag $0x2  }
0x31: {  	s0 =	rddreg [dreg:$0x0];
	s2 =	stileid.u32  }
0x32: {  	s1 =	rddreg [dreg:$0x1];
	p0 =	sne.s32 s2, $0x0  }
0x33: {  	s3 =	rddreg [dreg:$0x2];
	[bflag:$0x3] =	sbarrier.arrive $0xFFFF;
	s2 =	simm.s32 @!p0 $0x1C01  }
0x34: {  	[timem:s3], [sflag:s2] =	dma.local @!p0 [hbm:s0], s1  }
0x35: {  	s0 =	simm.s32 @!p0 $0x1  }
0x36: {  	_ =	swait.ge @!p0 [sflag:s0], s1  }
0x37: {  	s1 =	ssub.s32 @!p0 $0x0, s1;
	[sflag:s0] =	ssyncset.done @!p0 $0x0  }
0x38: {  	[sflag:s0] =	ssyncadd.s32 @!p0 s1  }
0x39: {  	[bflag:$0x3] =	sbarrier.arrive $0xFFFF  }
0x3a: {  	_ =	shalt  }

// kernel: kernel.14.cloned.1.call-start
scs
__scs_entry_jumppad:
0x0: {  	(pc) =	sbr.rel $0x88, $3  }
0x1: {  	(tag) =	ssettag $0x0;
	lr =	simm.s32 $0x1  }
0x2: {  	[smem:$0x3F99] =	sst lr;
	_ =	strace $0xD0000000  }
0x3: {  	_ = 	snop  }
0x4: {  	_ = 	snop  }
0x5: {  	_ = 	snop  }
0x6: {  	_ = 	snop  }
0x7: {  	_ = 	snop  }
__scs_overlays_trampoline_lowered:
0x8: {  	[smem:$0x3FA8] =	sst s0  }
0x9: {  	[smem:$0x3FA9] =	sst s1  }
0xa: {  	[smem:$0x3FAA] =	sst s2  }
0xb: {  	[smem:$0x3FAB] =	sst s3  }
0xc: {  	[smem:$0x3FAC] =	sst s4  }
0xd: {  	[smem:$0x3FAD] =	sst s5  }
0xe: {  	[smem:$0x3FAE] =	sst s6  }
0xf: {  	[smem:$0x3FAF] =	sst s7  }
0x10: {  	[smem:$0x3FB0] =	sst s8  }
0x11: {  	[smem:$0x3FB1] =	sst s9;
	s0 =	simm.s32 @!p0 $0x0  }
0x12: {  	s1 =	sld [smem:$0x3F97];
	s0 =	simm.s32 @p0 $0x1  }
0x13: {  	[smem:$0x3FB2] =	sst s0;
	s0 =	simm.s32 @!p1 $0x0  }
0x14: {  	s2 =	sld [smem:$0x3F96];
	s0 =	simm.s32 @p1 $0x1  }
0x15: {  	[smem:$0x3FB3] =	sst s0;
	s0 =	simm.s32 @!p2 $0x0  }
0x16: {  	s3 =	sld [smem:$0x3FDB];
	s0 =	simm.s32 @p2 $0x1  }
0x17: {  	s4 =	simm.s32 $0x1BF5;
	[smem:$0x3FB5] =	sst s0  }
0x18: {  	s0 =	sld [smem:$0x3F98];
	_ =	swait.ge [sflag:s4], $0x0  }
0x19: {  	s7 =	sld [smem:$0x3F99]  }
0x1a: {  	s8 =	sadd.s32 $0xFFFFE003, lr  }
0x1b: {  	s9 =	sadd.s32 $0xFFFFFEF7, lr;
	s5 =	simm.s32 $0xFFFFFFFF;
	p2 =	slt.u32 s8, $0xFFFFF086  }
0x1c: {  	p1 =	slt.u32 s9, $0xF7A;
	s5 =	simm.s32 @!p2 $0x0  }
0x1d: {  	s5 =	simm.s32 @p1 $0x1;
	p0 =	seq.s32 s7, s2  }
0x1e: {  	s7 =	smul.u32 @!p0 $0xF7A, s2;
	p2 =	seq.s32 @!p0 s5, $0x0  }
0x1f: {  	s9 =	smul.u32 $0xF7A, s1;
	s8 =	simm.s32 @!p0 $0x1BF5;
	p2 =	por !p2, p0  }
0x20: {  	[sflag:s8] =	ssyncset.s32 @!p0 $0xFFFFF086;
	s6 =	sadd.s32 @!p0 s3, s7;
	s7 =	simm.s32 @!p0 $0x108  }
0x21: {  	s3 =	sadd.s32 s3, s9;
	s6 =	sadd.s32 @!p0 $0x88, s6;
	s7 =	simm.s32 @p2 $0x1082  }
0x22: {  	[simem:s7], [sflag:s8] =	dma.local @!p0 [hbm:s6], $0xF7A  }
0x23: {  	s9 =	sor.u32 $0xD0000000, s2;
	s6 =	simm.s32 $0x108;
	_ =	swait.ge @!p0 [sflag:s8], $0x0  }
0x24: {  	s3 =	sadd.s32 $0x88, s3;
	s6 =	simm.s32 @!p1 $0x1082;
	[sflag:s4] =	ssyncset.s32 $0xFFFFF086  }
0x25: {  	[simem:s6], [sflag:s4] =	dma.local [hbm:s3], $0xF7A  }
0x26: {  	[smem:$0x3F99] =	sst s1;
	(tag) =	ssettag s2;
	_ =	strace s9  }
0x27: {  	s1 =	sld [smem:$0x3FA9]  }
0x28: {  	s2 =	sld [smem:$0x3FAA]  }
0x29: {  	s4 =	sld [smem:$0x3FAC]  }
0x2a: {  	p0 =	seq.s32 s5, $0x0;
	s5 =	sld [smem:$0x3FAD]  }
0x2b: {  	s6 =	sld [smem:$0x3FAE]  }
0x2c: {  	s7 =	sld [smem:$0x3FAF]  }
0x2d: {  	s3 =	simm.s32 $0x108;
	s8 =	sld [smem:$0x3FB0]  }
0x2e: {  	s3 =	simm.s32 @!p0 $0x1082;
	s9 =	sld [smem:$0x3FB1]  }
0x2f: {  	lr =	sadd.s32 s0, s3;
	s0 =	sld [smem:$0x3FA8]  }
0x30: {  	s3 =	sld [smem:$0x3FAB]  }
0x31: {  	[smem:$0x3FB4] =	sst s10  }
0x32: {  	s10 =	sld [smem:$0x3FB2];
	_ =	sdelay $0x3  }
0x33: {  	p0 =	seq.s32 s10, $0x1;
	s10 =	sld [smem:$0x3FB4];
	_ =	sdelay $0x3  }
0x34: {  	[smem:$0x3FB4] =	sst s10  }
0x35: {  	s10 =	sld [smem:$0x3FB3];
	_ =	sdelay $0x3  }
0x36: {  	p1 =	seq.s32 s10, $0x1;
	s10 =	sld [smem:$0x3FB4];
	_ =	sdelay $0x3  }
0x37: {  	[smem:$0x3FB4] =	sst s10  }
0x38: {  	s10 =	sld [smem:$0x3FB5]  }
0x39: {  	_ = 	snop;
	(pc) =	sbr.ind lr, $3  }
0x3a: {  	_ = 	snop  }
0x3b: {  	_ = 	snop  }
0x3c: {  	p2 =	seq.s32 s10, $0x1;
	s10 =	sld [smem:$0x3FB4]  }
0x3d: {  	_ =	shalt  }
0x3e: {  	_ =	shalt  }
0x3f: {  	_ =	shalt  }
0x40: {  	_ =	shalt  }
0x41: {  	_ =	shalt  }
0x42: {  	_ =	shalt  }
0x43: {  	_ =	shalt  }
0x44: {  	_ =	shalt  }
0x45: {  	_ =	shalt  }
0x46: {  	_ =	shalt  }
0x47: {  	_ =	shalt  }
0x48: {  	_ =	shalt  }
0x49: {  	_ =	shalt  }
0x4a: {  	_ =	shalt  }
0x4b: {  	_ =	shalt  }
0x4c: {  	_ =	shalt  }
0x4d: {  	_ =	shalt  }
0x4e: {  	_ =	shalt  }
0x4f: {  	_ =	shalt  }
0x50: {  	_ =	shalt  }
0x51: {  	_ =	shalt  }
0x52: {  	_ =	shalt  }
0x53: {  	_ =	shalt  }
0x54: {  	_ =	shalt  }
0x55: {  	_ =	shalt  }
0x56: {  	_ =	shalt  }
0x57: {  	_ =	shalt  }
0x58: {  	_ =	shalt  }
0x59: {  	_ =	shalt  }
0x5a: {  	_ =	shalt  }
0x5b: {  	_ =	shalt  }
0x5c: {  	_ =	shalt  }
0x5d: {  	_ =	shalt  }
0x5e: {  	_ =	shalt  }
0x5f: {  	_ =	shalt  }
0x60: {  	_ =	shalt  }
0x61: {  	_ =	shalt  }
0x62: {  	_ =	shalt  }
0x63: {  	_ =	shalt  }
0x64: {  	_ =	shalt  }
0x65: {  	_ =	shalt  }
0x66: {  	_ =	shalt  }
0x67: {  	_ =	shalt  }
0x68: {  	_ =	shalt  }
0x69: {  	_ =	shalt  }
0x6a: {  	_ =	shalt  }
0x6b: {  	_ =	shalt  }
0x6c: {  	_ =	shalt  }
0x6d: {  	_ =	shalt  }
0x6e: {  	_ =	shalt  }
0x6f: {  	_ =	shalt  }
0x70: {  	_ =	shalt  }
0x71: {  	_ =	shalt  }
0x72: {  	_ =	shalt  }
0x73: {  	_ =	shalt  }
0x74: {  	_ =	shalt  }
0x75: {  	_ =	shalt  }
0x76: {  	_ =	shalt  }
0x77: {  	_ =	shalt  }
0x78: {  	_ =	shalt  }
0x79: {  	_ =	shalt  }
0x7a: {  	_ =	shalt  }
0x7b: {  	_ =	shalt  }
0x7c: {  	_ =	shalt  }
0x7d: {  	_ =	shalt  }
0x7e: {  	_ =	shalt  }
0x7f: {  	_ =	shalt  }
0x80: {  	_ =	shalt  }
0x81: {  	_ =	shalt  }
0x82: {  	_ =	shalt  }
0x83: {  	_ =	shalt  }
0x84: {  	_ =	shalt  }
0x85: {  	_ =	shalt  }
0x86: {  	_ =	shalt  }
0x87: {  	_ =	shalt  }
.Lfunc_end0:
.L_simem_size_0:
called_computation.1_lowered:
.L_overlay_start_0:
0x88: {  	s2 =	sld [smem:$0x3FD9]  }
0x89: {  	s3 =	sld [smem:$0x3FFE];
	_ =	sdelay $0x1  }
0x8a: {  	s1 =	srdreg.scid  }
0x8b: {  	s0 =	sand.u32 $0x1, s1  }
0x8c: {  	s16 =	sshll.u32 s0, $0xA;
	s2 =	sadd.s32 s3, s2  }
0x8d: {  	s2 =	sadd.s32 s2, s16  }
0x8e: {  	[smem:$0x3FC0] =	sst s2  }
0x8f: {  	_ = 	snop  }
0x90: {  	(tm) =	ssettm $0x1  }
0x91: {  	s17 =	sld [smem:$0x3FFB];
	_ =	sdelay $0x3  }
0x92: {  	_ =	strace s17  }
0x93: {  	s2 =	sld [smem:$0x3FFC];
	_ =	sdelay $0x3  }
0x94: {  	_ =	strace s2  }
0x95: {  	s2 =	sld [smem:$0x3FFD];
	_ =	sdelay $0x3  }
0x96: {  	_ =	strace s2  }
0x97: {  	_ =	strace $0x8FFFFFFF  }
0x98: {  	s18 =	sld [smem:$0x3FDB];
	_ =	sdelay $0x1  }
0x99: {  	s19 =	simm.s32 $_scs_section_size  }
0x9a: {  	s4 =	simm.s32 $_size__tile_overlayer_lowered;
	s5 =	simm.s32 $_tile_overlayer_lowered  }
0x9b: {  	s22 =	simm.s32 $0x1BFF;
	s21 =	sshll.u32 s5, $0x1;
	s2 =	sadd.s32 s19, s18  }
0x9c: {  	s6 =	simm.s32 $0x0;
	s20 =	sshll.u32 s4, $0x1;
	s4 =	sadd.s32 s21, s2  }
0x9d: {  	[timem:s6], [sflag:s22] =	dma.local [hbm:s4], s20  }
0x9e: {  	_ =	swait.ge [sflag:s22], s20  }
0x9f: {  	s3 =	ssub.s32 $0x0, s20;
	[sflag:s22] =	ssyncset.done $0x0  }
0xa0: {  	[sflag:s22] =	ssyncadd.s32 s3;
	_ =	sdelay $0x1  }
0xa1: {  	s23 =	simm.s32 $0x1B8B  }
0xa2: {  	_ =	swait.ge [sflag:s23], $0x1  }
0xa3: {  	[sflag:s23] =	ssyncset.done $0x0  }
0xa4: {  	s25 =	simm.s32 $0x1B8E;
	s24 =	sld [smem:$0x3FFE];
	[sflag:s23] =	ssyncadd.s32 $0xFFFFFFFF  }
0xa5: {  	s26 =	simm.s32 $execute0_lowered;
	[smem:$0x3FD2] =	sst s25  }
0xa6: {  	s4 =	sshll.u32 s26, $0x1;
	_ =	strace $0x80000049;
	[dreg:$0x1] =	wrdreg $0xFFFFFFFF  }
0xa7: {  	s28 =	simm.s32 $_size_execute0_lowered;
	s2 =	sadd.s32 s2, s4;
	[dreg:$0x0] =	wrdreg $0x0  }
0xa8: {  	s4 =	sshll.u32 s28, $0x1;
	[dreg:$0x2] =	wrdreg s2  }
0xa9: {  	[dreg:$0x3] =	wrdreg s4  }
0xaa: {  	[dreg:$0x4] =	wrdreg $0xC0  }
0xab: {  	_ =	task [dreg:s6], $0x5FFFF  }
0xac: {  	[dreg:$0x1] =	wrdreg $0xFFFFFFFF  }
0xad: {  	[dreg:$0x0] =	wrdreg $0x60  }
0xae: {  	[dreg:$0x2] =	wrdreg s24  }
0xaf: {  	[dreg:$0x3] =	wrdreg $0x76200  }
0xb0: {  	[dreg:$0x4] =	wrdreg $0x9  }
0xb1: {  	_ =	task.clear_ibuf [dreg:s6], $0x5FFFF;
	_ =	strace $0x90000049  }
0xb2: {  	s29 =	simm.s32 $0x9;
	_ =	strace $0x8000004B  }
0xb3: {  	_ =	swait.ge [sflag:s29], $0x1  }
0xb4: {  	[sflag:s29] =	ssyncadd.s32 $0xFFFFFFFF  }
0xb5: {  	_ =	strace $0x9000004B  }
0xb6: {  	_ =	sfence  }
0xb7: {  	s30 =	sld [smem:$0x0];
	_ =	sdelay $0x2  }
0xb8: {  	s31 =	sshll.u32 s1, $0xD;
	s1 =	sshrl.u32 s1, $0x2  }
0xb9: {  	s3 =	sand.u32 $0x4000, s31;
	s1 =	sadd.s32 s1, s30  }
0xba: {  	s0 =	sor.u32 s3, s0;
	s1 =	sshll.u32 s1, $0x11  }
0xbb: {  	s0 =	sor.u32 s1, s0  }
0xbc: {  	s0 =	sadd.s32 $0x8F2B, s0  }
0xbd: {  	[sflag:s0] =	ssyncadd.remote.s32 $0x1  }
0xbe: {  	_ =	sfence.sel $0xFFFF  }
0xbf: {  	[dreg:$0x0] =	wrdreg $0xFFFFFFFF;
	(pc) =	sbr.abs _section_cstart, $3  }
0xc0: {  	[dreg:$0x1] =	wrdreg $0xFFFFFFFF  }
0xc1: {  	_ =	task.clear_ibuf [dreg:s6], $0x2FFFF;
	_ =	strace $0x9FFFFFFF  }
0xc2: {  	(tm) =	ssettm $0x7FFFFFFF  }
0xc3: {  	_ =	shalt  }
tec
execute0_lowered:
.L_overlay_start_1:
0x0: {  	(tag) =	ssettag $0x1  }
0x1: {  	s0 =	srdreg.scid;
	s7 =	rddreg [dreg:$0x0]  }
0x2: {  	s2 =	rddreg [dreg:$0x1];
	s3 =	simm.s32 $0x0;
	s13 =	simm.s32 $0x2710  }
0x3: {  	s14 =	simm.s32 $0x50;
	s6 =	sand.u32 $0x1, s0;
	s0 =	stileid.u32  }
0x4: {  	s15 =	simm.s32 $0x4E20;
	s16 =	simm.s32 $0x1;
	s8 =	smul.u32 $0x2800, s0  }
0x5: {  	s17 =	simm.s32 $0x0;
	[smem:$0x7FF] =	sst s3;
	s9 =	smul.u32 $0x28000, s6  }
0x6: {  	s1 =	sshll.u32 s6, $0x4;
	s11 =	smul.u32 $0x50000, s0;
	s6 =	ssub.s32 $0x2, s6  }
0x7: {  	s31 =	sshll.u32 s0, $0x6;
	s4 =	sor.u32 s0, s1;
	s1 =	rddreg [dreg:$0x2]  }
0x8: {  	_ =	strace $0x8000004A;
	s28 =	sshrl.u32 s6, $0x1;
	s5 =	smul.u32 $0x4E2, s4  }
0x9: {  	s4 =	sadd.s32 $0x3D600, s7;
	s8 =	sadd.s32 s8, s9;
	s29 =	sshrl.u32 s11, $0x2  }
0xa: {  	s30 =	ssub.s32 s6, s28;
	s6 =	sor.u32 $0x1C02, s31;
	s9 =	sadd.s32 s8, s7  }
0xb: {  	s12 =	sadd.s32 s29, s2;
	s10 =	sadd.s32 s5, s7;
	s5 =	sadd.s32 $0x64800, s7  }
0xc: {  	s9 =	sadd.s32 $0x67000, s9;
	s11 =	sshrl.u32 s12, $0x3;
	s12 =	simm.s32 $0x2  }
0xd: {  	s7 =	sadd.s32 $0x2800, s10;
	s8 =	sadd.s32 $0xC600, s10;
	s10 =	smax.u32 s30, $0x1  }
.LBB2_1:
0xe: {  	[spmem:s11], [sflag:s6] =	dma.local [hbm:s5], $0x2800  }
0xf: {  	_ =	swait.ge [sflag:s12], $0x2800  }
0x10: {  	[sflag:s12] =	ssyncset.done $0x0  }
0x11: {  	[sflag:s12] =	ssyncadd.s32 $0xFFFFD800  }
0x12: {  	[tilespmem:s3], [sflag:$0x2] =	stream.linear.gather [hbm4b:s7+s3], $0x2710, $0x38;
	[tilespmem:$0x1B620] =	vst v63  }
0x13: {  	_ =	swait.ge [sflag:s12], $0x2710  }
0x14: {  	[sflag:s12] =	ssyncset.done $0x0  }
0x15: {  	[sflag:s12] =	ssyncadd.s32 $0xFFFFD8F0  }
0x16: {  	[tilespmem:s13], [sflag:$0x2] =	stream.linear.gather [hbm4b:s8+s3], $0x2710, $0x38;
	[tilespmem:$0x1B620] =	vst v63  }
0x17: {  	_ =	swait.ge [sflag:s12], $0x2710  }
0x18: {  	[sflag:s12] =	ssyncset.done $0x0  }
0x19: {  	[sflag:s12] =	ssyncadd.s32 $0xFFFFD8F0  }
0x1a: {  	s18 =	simm.s32 $0x0;
	[bflag:$0x0] =	sbarrier.arrive $0xFFFF  }
0x1b: {  	[tilespmem:s15], [sflag:$0x1] =	stream.indirect.gather [hbm4b:s4+s14], $0x80, s18, s14, $0xb8;
	[tilespmem:$0x1B620] =	vst v63  }
0x1c: {  	_ =	swait.ge [sflag:s16], $0x2800  }
0x1d: {  	[sflag:s16] =	ssyncset.done $0x0  }
0x1e: {  	s31 =	simm.s32 $0x2710;
	[sflag:s16] =	ssyncadd.s32 $0xFFFFD800  }
0x1f: {  	[spmem:s2] =	stream.indirect.scatter.add.f32 [tilespmem:s15], [sflag:$0x2], $0x80, s31, s14, $0xb8;
	[tilespmem:$0x1B620] =	vst v63  }
0x20: {  	_ =	swait.ge [sflag:s12], $0x2800  }
0x21: {  	s19 =	simm.s32 $0x280;
	s18 =	simm.s32 $0x140;
	[sflag:s12] =	ssyncset.done $0x0  }
.LBB2_2:
0x22: {  	s20 =	sshra.s32 s18, $0x2  }
0x23: {  	[sflag:s12] =	ssyncadd.s32 $0xFFFFD800;
	s18 =	smov.u32 s19;
	s21 =	sadd.s32 $0x140, s19  }
0x24: {  	[tilespmem:s15], [sflag:$0x1] =	stream.indirect.gather [hbm4b:s4+s14], $0x80, s20, s14, $0xb8;
	[tilespmem:$0x1B620] =	vst v63  }
0x25: {  	p0 =	sne.s32 s19, $0x9B00;
	_ =	swait.ge [sflag:s16], $0x2800  }
.Ltmp0:
0x26: {  	[sflag:s16] =	ssyncset.done $0x0;
	(pc) =	sbr.rel @p0 .LBB2_2-.Ltmp0, $4  }
0x27: {  	s19 =	sadd.s32 $0x2710, s20;
	[sflag:s16] =	ssyncadd.s32 $0xFFFFD800  }
0x28: {  	[spmem:s2] =	stream.indirect.scatter.add.f32 [tilespmem:s15], [sflag:$0x2], $0x80, s19, s14, $0xb8;
	[tilespmem:$0x1B620] =	vst v63  }
0x29: {  	_ =	swait.ge [sflag:s12], $0x2800  }
0x2a: {  	s19 =	smov.u32 s21;
	[sflag:s12] =	ssyncset.done $0x0  }
0x2b: {  	s18 =	sshra.s32 s18, $0x2;
	[sflag:s12] =	ssyncadd.s32 $0xFFFFD800  }
0x2c: {  	[tilespmem:s15], [sflag:$0x1] =	stream.indirect.gather [hbm4b:s4+s14], $0x80, s18, s14, $0xb8;
	[tilespmem:$0x1B620] =	vst v63  }
0x2d: {  	_ =	swait.ge [sflag:s16], $0x2800  }
0x2e: {  	[sflag:s16] =	ssyncset.done $0x0  }
0x2f: {  	s18 =	sadd.s32 $0x2710, s18;
	[sflag:s16] =	ssyncadd.s32 $0xFFFFD800  }
0x30: {  	[spmem:s2] =	stream.indirect.scatter.add.f32 [tilespmem:s15], [sflag:$0x2], $0x80, s18, s14, $0xb8;
	[tilespmem:$0x1B620] =	vst v63  }
0x31: {  	_ =	swait.ge [sflag:s12], $0x2800  }
0x32: {  	s17 =	sadd.s32 $0x1, s17;
	[sflag:s12] =	ssyncset.done $0x0  }
0x33: {  	p0 =	sne.s32 s17, s10;
	[sflag:s12] =	ssyncadd.s32 $0xFFFFD800  }
.Ltmp1:
0x34: {  	[bflag:$0x0] =	sbarrier.arrive $0xFFFF;
	(pc) =	sbr.rel @p0 .LBB2_1-.Ltmp1, $4  }
0x35: {  	[hbm:s9], [sflag:s6] =	dma.local [spmem:s11], $0x2800  }
0x36: {  	_ =	swait.ge [sflag:s12], $0x2800  }
0x37: {  	[sflag:s12] =	ssyncset.done $0x0  }
0x38: {  	[sflag:s12] =	ssyncadd.s32 $0xFFFFD800  }
0x39: {  	_ =	sfence.sel $0x180000  }
0x3a: {  	[bflag:$0x0] =	sbarrier.arrive $0xFFFF  }
0x3b: {  	p0 =	sne.s32 s0, $0x0;
	_ =	strace $0x9000004A  }
0x3c: {  	s0 =	sadd.s32 @!p0 $0x100000, s1;
	[bflag:$0x2] =	sbarrier.arrive $0xFFFF  }
0x3d: {  	[sflag:s0] =	ssyncadd.tile.s32 @!p0 $0x1;
	_ =	shalt  }
.Lfunc_end2:
_tile_overlayer_lowered:
.L_overlay_start_2:
0x3e: {  	(tag) =	ssettag $0x2  }
0x3f: {  	s0 =	rddreg [dreg:$0x0];
	s2 =	stileid.u32  }
0x40: {  	s1 =	rddreg [dreg:$0x1];
	p0 =	sne.s32 s2, $0x0  }
0x41: {  	s3 =	rddreg [dreg:$0x2];
	[bflag:$0x3] =	sbarrier.arrive $0xFFFF;
	s2 =	simm.s32 @!p0 $0x1C02  }
0x42: {  	[timem:s3], [sflag:s2] =	dma.local @!p0 [hbm:s0], s1  }
0x43: {  	s0 =	simm.s32 @!p0 $0x2  }
0x44: {  	_ =	swait.ge @!p0 [sflag:s0], s1  }
0x45: {  	s1 =	ssub.s32 @!p0 $0x0, s1;
	[sflag:s0] =	ssyncset.done @!p0 $0x0  }
0x46: {  	[sflag:s0] =	ssyncadd.s32 @!p0 s1  }
0x47: {  	[bflag:$0x3] =	sbarrier.arrive $0xFFFF  }
0x48: {  	_ =	shalt  }

// kernel: kernel.17.cloned.1.call-start
scs
__scs_entry_jumppad:
0x0: {  	(pc) =	sbr.rel $0x88, $3  }
0x1: {  	(tag) =	ssettag $0x0;
	lr =	simm.s32 $0x1  }
0x2: {  	[smem:$0x3F99] =	sst lr;
	_ =	strace $0xD0000000  }
0x3: {  	_ = 	snop  }
0x4: {  	_ = 	snop  }
0x5: {  	_ = 	snop  }
0x6: {  	_ = 	snop  }
0x7: {  	_ = 	snop  }
__scs_overlays_trampoline_lowered:
0x8: {  	[smem:$0x3FA8] =	sst s0  }
0x9: {  	[smem:$0x3FA9] =	sst s1  }
0xa: {  	[smem:$0x3FAA] =	sst s2  }
0xb: {  	[smem:$0x3FAB] =	sst s3  }
0xc: {  	[smem:$0x3FAC] =	sst s4  }
0xd: {  	[smem:$0x3FAD] =	sst s5  }
0xe: {  	[smem:$0x3FAE] =	sst s6  }
0xf: {  	[smem:$0x3FAF] =	sst s7  }
0x10: {  	[smem:$0x3FB0] =	sst s8  }
0x11: {  	[smem:$0x3FB1] =	sst s9;
	s0 =	simm.s32 @!p0 $0x0  }
0x12: {  	s1 =	sld [smem:$0x3F97];
	s0 =	simm.s32 @p0 $0x1  }
0x13: {  	[smem:$0x3FB2] =	sst s0;
	s0 =	simm.s32 @!p1 $0x0  }
0x14: {  	s2 =	sld [smem:$0x3F96];
	s0 =	simm.s32 @p1 $0x1  }
0x15: {  	[smem:$0x3FB3] =	sst s0;
	s0 =	simm.s32 @!p2 $0x0  }
0x16: {  	s3 =	sld [smem:$0x3FDB];
	s0 =	simm.s32 @p2 $0x1  }
0x17: {  	s4 =	simm.s32 $0x1BF5;
	[smem:$0x3FB5] =	sst s0  }
0x18: {  	s0 =	sld [smem:$0x3F98];
	_ =	swait.ge [sflag:s4], $0x0  }
0x19: {  	s7 =	sld [smem:$0x3F99]  }
0x1a: {  	s8 =	sadd.s32 $0xFFFFE003, lr  }
0x1b: {  	s9 =	sadd.s32 $0xFFFFFEF7, lr;
	s5 =	simm.s32 $0xFFFFFFFF;
	p2 =	slt.u32 s8, $0xFFFFF086  }
0x1c: {  	p1 =	slt.u32 s9, $0xF7A;
	s5 =	simm.s32 @!p2 $0x0  }
0x1d: {  	s5 =	simm.s32 @p1 $0x1;
	p0 =	seq.s32 s7, s2  }
0x1e: {  	s7 =	smul.u32 @!p0 $0xF7A, s2;
	p2 =	seq.s32 @!p0 s5, $0x0  }
0x1f: {  	s9 =	smul.u32 $0xF7A, s1;
	s8 =	simm.s32 @!p0 $0x1BF5;
	p2 =	por !p2, p0  }
0x20: {  	[sflag:s8] =	ssyncset.s32 @!p0 $0xFFFFF086;
	s6 =	sadd.s32 @!p0 s3, s7;
	s7 =	simm.s32 @!p0 $0x108  }
0x21: {  	s3 =	sadd.s32 s3, s9;
	s6 =	sadd.s32 @!p0 $0x88, s6;
	s7 =	simm.s32 @p2 $0x1082  }
0x22: {  	[simem:s7], [sflag:s8] =	dma.local @!p0 [hbm:s6], $0xF7A  }
0x23: {  	s9 =	sor.u32 $0xD0000000, s2;
	s6 =	simm.s32 $0x108;
	_ =	swait.ge @!p0 [sflag:s8], $0x0  }
0x24: {  	s3 =	sadd.s32 $0x88, s3;
	s6 =	simm.s32 @!p1 $0x1082;
	[sflag:s4] =	ssyncset.s32 $0xFFFFF086  }
0x25: {  	[simem:s6], [sflag:s4] =	dma.local [hbm:s3], $0xF7A  }
0x26: {  	[smem:$0x3F99] =	sst s1;
	(tag) =	ssettag s2;
	_ =	strace s9  }
0x27: {  	s1 =	sld [smem:$0x3FA9]  }
0x28: {  	s2 =	sld [smem:$0x3FAA]  }
0x29: {  	s4 =	sld [smem:$0x3FAC]  }
0x2a: {  	p0 =	seq.s32 s5, $0x0;
	s5 =	sld [smem:$0x3FAD]  }
0x2b: {  	s6 =	sld [smem:$0x3FAE]  }
0x2c: {  	s7 =	sld [smem:$0x3FAF]  }
0x2d: {  	s3 =	simm.s32 $0x108;
	s8 =	sld [smem:$0x3FB0]  }
0x2e: {  	s3 =	simm.s32 @!p0 $0x1082;
	s9 =	sld [smem:$0x3FB1]  }
0x2f: {  	lr =	sadd.s32 s0, s3;
	s0 =	sld [smem:$0x3FA8]  }
0x30: {  	s3 =	sld [smem:$0x3FAB]  }
0x31: {  	[smem:$0x3FB4] =	sst s10  }
0x32: {  	s10 =	sld [smem:$0x3FB2];
	_ =	sdelay $0x3  }
0x33: {  	p0 =	seq.s32 s10, $0x1;
	s10 =	sld [smem:$0x3FB4];
	_ =	sdelay $0x3  }
0x34: {  	[smem:$0x3FB4] =	sst s10  }
0x35: {  	s10 =	sld [smem:$0x3FB3];
	_ =	sdelay $0x3  }
0x36: {  	p1 =	seq.s32 s10, $0x1;
	s10 =	sld [smem:$0x3FB4];
	_ =	sdelay $0x3  }
0x37: {  	[smem:$0x3FB4] =	sst s10  }
0x38: {  	s10 =	sld [smem:$0x3FB5]  }
0x39: {  	_ = 	snop;
	(pc) =	sbr.ind lr, $3  }
0x3a: {  	_ = 	snop  }
0x3b: {  	_ = 	snop  }
0x3c: {  	p2 =	seq.s32 s10, $0x1;
	s10 =	sld [smem:$0x3FB4]  }
0x3d: {  	_ =	shalt  }
0x3e: {  	_ =	shalt  }
0x3f: {  	_ =	shalt  }
0x40: {  	_ =	shalt  }
0x41: {  	_ =	shalt  }
0x42: {  	_ =	shalt  }
0x43: {  	_ =	shalt  }
0x44: {  	_ =	shalt  }
0x45: {  	_ =	shalt  }
0x46: {  	_ =	shalt  }
0x47: {  	_ =	shalt  }
0x48: {  	_ =	shalt  }
0x49: {  	_ =	shalt  }
0x4a: {  	_ =	shalt  }
0x4b: {  	_ =	shalt  }
0x4c: {  	_ =	shalt  }
0x4d: {  	_ =	shalt  }
0x4e: {  	_ =	shalt  }
0x4f: {  	_ =	shalt  }
0x50: {  	_ =	shalt  }
0x51: {  	_ =	shalt  }
0x52: {  	_ =	shalt  }
0x53: {  	_ =	shalt  }
0x54: {  	_ =	shalt  }
0x55: {  	_ =	shalt  }
0x56: {  	_ =	shalt  }
0x57: {  	_ =	shalt  }
0x58: {  	_ =	shalt  }
0x59: {  	_ =	shalt  }
0x5a: {  	_ =	shalt  }
0x5b: {  	_ =	shalt  }
0x5c: {  	_ =	shalt  }
0x5d: {  	_ =	shalt  }
0x5e: {  	_ =	shalt  }
0x5f: {  	_ =	shalt  }
0x60: {  	_ =	shalt  }
0x61: {  	_ =	shalt  }
0x62: {  	_ =	shalt  }
0x63: {  	_ =	shalt  }
0x64: {  	_ =	shalt  }
0x65: {  	_ =	shalt  }
0x66: {  	_ =	shalt  }
0x67: {  	_ =	shalt  }
0x68: {  	_ =	shalt  }
0x69: {  	_ =	shalt  }
0x6a: {  	_ =	shalt  }
0x6b: {  	_ =	shalt  }
0x6c: {  	_ =	shalt  }
0x6d: {  	_ =	shalt  }
0x6e: {  	_ =	shalt  }
0x6f: {  	_ =	shalt  }
0x70: {  	_ =	shalt  }
0x71: {  	_ =	shalt  }
0x72: {  	_ =	shalt  }
0x73: {  	_ =	shalt  }
0x74: {  	_ =	shalt  }
0x75: {  	_ =	shalt  }
0x76: {  	_ =	shalt  }
0x77: {  	_ =	shalt  }
0x78: {  	_ =	shalt  }
0x79: {  	_ =	shalt  }
0x7a: {  	_ =	shalt  }
0x7b: {  	_ =	shalt  }
0x7c: {  	_ =	shalt  }
0x7d: {  	_ =	shalt  }
0x7e: {  	_ =	shalt  }
0x7f: {  	_ =	shalt  }
0x80: {  	_ =	shalt  }
0x81: {  	_ =	shalt  }
0x82: {  	_ =	shalt  }
0x83: {  	_ =	shalt  }
0x84: {  	_ =	shalt  }
0x85: {  	_ =	shalt  }
0x86: {  	_ =	shalt  }
0x87: {  	_ =	shalt  }
.Lfunc_end0:
.L_simem_size_0:
called_computation.2_lowered:
.L_overlay_start_0:
0x88: {  	s2 =	sld [smem:$0x3FD9]  }
0x89: {  	s3 =	sld [smem:$0x3FFE];
	_ =	sdelay $0x1  }
0x8a: {  	s1 =	srdreg.scid  }
0x8b: {  	s0 =	sand.u32 $0x1, s1  }
0x8c: {  	s16 =	sshll.u32 s0, $0xA;
	s2 =	sadd.s32 s3, s2  }
0x8d: {  	s2 =	sadd.s32 s2, s16  }
0x8e: {  	[smem:$0x3FC0] =	sst s2  }
0x8f: {  	_ = 	snop  }
0x90: {  	(tm) =	ssettm $0x1  }
0x91: {  	s17 =	sld [smem:$0x3FFB];
	_ =	sdelay $0x3  }
0x92: {  	_ =	strace s17  }
0x93: {  	s2 =	sld [smem:$0x3FFC];
	_ =	sdelay $0x3  }
0x94: {  	_ =	strace s2  }
0x95: {  	s2 =	sld [smem:$0x3FFD];
	_ =	sdelay $0x3  }
0x96: {  	_ =	strace s2  }
0x97: {  	_ =	strace $0x8FFFFFFF  }
0x98: {  	s18 =	sld [smem:$0x3FDB];
	_ =	sdelay $0x1  }
0x99: {  	s19 =	simm.s32 $_scs_section_size  }
0x9a: {  	s4 =	simm.s32 $_size__tile_overlayer_lowered;
	s5 =	simm.s32 $_tile_overlayer_lowered  }
0x9b: {  	s22 =	simm.s32 $0x1BFF;
	s21 =	sshll.u32 s5, $0x1;
	s2 =	sadd.s32 s19, s18  }
0x9c: {  	s6 =	simm.s32 $0x0;
	s20 =	sshll.u32 s4, $0x1;
	s4 =	sadd.s32 s21, s2  }
0x9d: {  	[timem:s6], [sflag:s22] =	dma.local [hbm:s4], s20  }
0x9e: {  	_ =	swait.ge [sflag:s22], s20  }
0x9f: {  	s3 =	ssub.s32 $0x0, s20;
	[sflag:s22] =	ssyncset.done $0x0  }
0xa0: {  	[sflag:s22] =	ssyncadd.s32 s3;
	_ =	sdelay $0x1  }
0xa1: {  	s23 =	simm.s32 $0x1B8B  }
0xa2: {  	_ =	swait.ge [sflag:s23], $0x1  }
0xa3: {  	[sflag:s23] =	ssyncset.done $0x0  }
0xa4: {  	s25 =	simm.s32 $0x1B8E;
	s24 =	sld [smem:$0x3FFE];
	[sflag:s23] =	ssyncadd.s32 $0xFFFFFFFF  }
0xa5: {  	s26 =	simm.s32 $execute0_lowered;
	[smem:$0x3FD2] =	sst s25  }
0xa6: {  	s4 =	sshll.u32 s26, $0x1;
	_ =	strace $0x8000004C;
	[dreg:$0x1] =	wrdreg $0xFFFFFFFF  }
0xa7: {  	s28 =	simm.s32 $_size_execute0_lowered;
	s2 =	sadd.s32 s2, s4;
	[dreg:$0x0] =	wrdreg $0x0  }
0xa8: {  	s4 =	sshll.u32 s28, $0x1;
	[dreg:$0x2] =	wrdreg s2  }
0xa9: {  	[dreg:$0x3] =	wrdreg s4  }
0xaa: {  	[dreg:$0x4] =	wrdreg $0xC0  }
0xab: {  	_ =	task [dreg:s6], $0x5FFFF  }
0xac: {  	[dreg:$0x1] =	wrdreg $0xFFFFFFFF  }
0xad: {  	[dreg:$0x0] =	wrdreg $0x60  }
0xae: {  	[dreg:$0x2] =	wrdreg s24  }
0xaf: {  	[dreg:$0x3] =	wrdreg $0x76200  }
0xb0: {  	[dreg:$0x4] =	wrdreg $0x9  }
0xb1: {  	_ =	task.clear_ibuf [dreg:s6], $0x5FFFF;
	_ =	strace $0x9000004C  }
0xb2: {  	s29 =	simm.s32 $0x9;
	_ =	strace $0x8000004E  }
0xb3: {  	_ =	swait.ge [sflag:s29], $0x1  }
0xb4: {  	[sflag:s29] =	ssyncadd.s32 $0xFFFFFFFF  }
0xb5: {  	_ =	strace $0x9000004E  }
0xb6: {  	_ =	sfence  }
0xb7: {  	s30 =	sld [smem:$0x0];
	_ =	sdelay $0x2  }
0xb8: {  	s31 =	sshll.u32 s1, $0xD;
	s1 =	sshrl.u32 s1, $0x2  }
0xb9: {  	s3 =	sand.u32 $0x4000, s31;
	s1 =	sadd.s32 s1, s30  }
0xba: {  	s0 =	sor.u32 s3, s0;
	s1 =	sshll.u32 s1, $0x11  }
0xbb: {  	s0 =	sor.u32 s1, s0  }
0xbc: {  	s0 =	sadd.s32 $0x8F2B, s0  }
0xbd: {  	[sflag:s0] =	ssyncadd.remote.s32 $0x1  }
0xbe: {  	_ =	sfence.sel $0xFFFF  }
0xbf: {  	[dreg:$0x0] =	wrdreg $0xFFFFFFFF;
	(pc) =	sbr.abs _section_cstart, $3  }
0xc0: {  	[dreg:$0x1] =	wrdreg $0xFFFFFFFF  }
0xc1: {  	_ =	task.clear_ibuf [dreg:s6], $0x2FFFF;
	_ =	strace $0x9FFFFFFF  }
0xc2: {  	(tm) =	ssettm $0x7FFFFFFF  }
0xc3: {  	_ =	shalt  }
tec
execute0_lowered:
.L_overlay_start_1:
0x0: {  	(tag) =	ssettag $0x1  }
0x1: {  	s0 =	srdreg.scid;
	s7 =	rddreg [dreg:$0x0]  }
0x2: {  	s2 =	rddreg [dreg:$0x1];
	s3 =	simm.s32 $0x0;
	s13 =	simm.s32 $0x2710  }
0x3: {  	s14 =	simm.s32 $0x50;
	s6 =	sand.u32 $0x1, s0;
	s0 =	stileid.u32  }
0x4: {  	s15 =	simm.s32 $0x4E20;
	s16 =	simm.s32 $0x1;
	s8 =	smul.u32 $0x2800, s0  }
0x5: {  	s17 =	simm.s32 $0x0;
	[smem:$0x7FF] =	sst s3;
	s9 =	smul.u32 $0x28000, s6  }
0x6: {  	s1 =	sshll.u32 s6, $0x4;
	s11 =	smul.u32 $0x50000, s0;
	s6 =	ssub.s32 $0x2, s6  }
0x7: {  	s31 =	sshll.u32 s0, $0x6;
	s4 =	sor.u32 s0, s1;
	s1 =	rddreg [dreg:$0x2]  }
0x8: {  	_ =	strace $0x8000004D;
	s28 =	sshrl.u32 s6, $0x1;
	s5 =	smul.u32 $0x4E2, s4  }
0x9: {  	s4 =	sadd.s32 $0x3D600, s7;
	s8 =	sadd.s32 s8, s9;
	s29 =	sshrl.u32 s11, $0x2  }
0xa: {  	s30 =	ssub.s32 s6, s28;
	s6 =	sor.u32 $0x1C02, s31;
	s9 =	sadd.s32 s8, s7  }
0xb: {  	s12 =	sadd.s32 s29, s2;
	s10 =	sadd.s32 s5, s7;
	s5 =	sadd.s32 $0x64800, s7  }
0xc: {  	s9 =	sadd.s32 $0x67000, s9;
	s11 =	sshrl.u32 s12, $0x3;
	s12 =	simm.s32 $0x2  }
0xd: {  	s7 =	sadd.s32 $0x2800, s10;
	s8 =	sadd.s32 $0xC600, s10;
	s10 =	smax.u32 s30, $0x1  }
.LBB2_1:
0xe: {  	[spmem:s11], [sflag:s6] =	dma.local [hbm:s5], $0x2800  }
0xf: {  	_ =	swait.ge [sflag:s12], $0x2800  }
0x10: {  	[sflag:s12] =	ssyncset.done $0x0  }
0x11: {  	[sflag:s12] =	ssyncadd.s32 $0xFFFFD800  }
0x12: {  	[tilespmem:s3], [sflag:$0x2] =	stream.linear.gather [hbm4b:s7+s3], $0x2710, $0x38;
	[tilespmem:$0x1B620] =	vst v63  }
0x13: {  	_ =	swait.ge [sflag:s12], $0x2710  }
0x14: {  	[sflag:s12] =	ssyncset.done $0x0  }
0x15: {  	[sflag:s12] =	ssyncadd.s32 $0xFFFFD8F0  }
0x16: {  	[tilespmem:s13], [sflag:$0x2] =	stream.linear.gather [hbm4b:s8+s3], $0x2710, $0x38;
	[tilespmem:$0x1B620] =	vst v63  }
0x17: {  	_ =	swait.ge [sflag:s12], $0x2710  }
0x18: {  	[sflag:s12] =	ssyncset.done $0x0  }
0x19: {  	[sflag:s12] =	ssyncadd.s32 $0xFFFFD8F0  }
0x1a: {  	s18 =	simm.s32 $0x0;
	[bflag:$0x0] =	sbarrier.arrive $0xFFFF  }
0x1b: {  	[tilespmem:s15], [sflag:$0x1] =	stream.indirect.gather [hbm4b:s4+s14], $0x80, s18, s14, $0xb8;
	[tilespmem:$0x1B620] =	vst v63  }
0x1c: {  	_ =	swait.ge [sflag:s16], $0x2800  }
0x1d: {  	[sflag:s16] =	ssyncset.done $0x0  }
0x1e: {  	s31 =	simm.s32 $0x2710;
	[sflag:s16] =	ssyncadd.s32 $0xFFFFD800  }
0x1f: {  	[spmem:s2] =	stream.indirect.scatter.add.f32 [tilespmem:s15], [sflag:$0x2], $0x80, s31, s14, $0xb8;
	[tilespmem:$0x1B620] =	vst v63  }
0x20: {  	_ =	swait.ge [sflag:s12], $0x2800  }
0x21: {  	s19 =	simm.s32 $0x280;
	s18 =	simm.s32 $0x140;
	[sflag:s12] =	ssyncset.done $0x0  }
.LBB2_2:
0x22: {  	s20 =	sshra.s32 s18, $0x2  }
0x23: {  	[sflag:s12] =	ssyncadd.s32 $0xFFFFD800;
	s18 =	smov.u32 s19;
	s21 =	sadd.s32 $0x140, s19  }
0x24: {  	[tilespmem:s15], [sflag:$0x1] =	stream.indirect.gather [hbm4b:s4+s14], $0x80, s20, s14, $0xb8;
	[tilespmem:$0x1B620] =	vst v63  }
0x25: {  	p0 =	sne.s32 s19, $0x9B00;
	_ =	swait.ge [sflag:s16], $0x2800  }
.Ltmp0:
0x26: {  	[sflag:s16] =	ssyncset.done $0x0;
	(pc) =	sbr.rel @p0 .LBB2_2-.Ltmp0, $4  }
0x27: {  	s19 =	sadd.s32 $0x2710, s20;
	[sflag:s16] =	ssyncadd.s32 $0xFFFFD800  }
0x28: {  	[spmem:s2] =	stream.indirect.scatter.add.f32 [tilespmem:s15], [sflag:$0x2], $0x80, s19, s14, $0xb8;
	[tilespmem:$0x1B620] =	vst v63  }
0x29: {  	_ =	swait.ge [sflag:s12], $0x2800  }
0x2a: {  	s19 =	smov.u32 s21;
	[sflag:s12] =	ssyncset.done $0x0  }
0x2b: {  	s18 =	sshra.s32 s18, $0x2;
	[sflag:s12] =	ssyncadd.s32 $0xFFFFD800  }
0x2c: {  	[tilespmem:s15], [sflag:$0x1] =	stream.indirect.gather [hbm4b:s4+s14], $0x80, s18, s14, $0xb8;
	[tilespmem:$0x1B620] =	vst v63  }
0x2d: {  	_ =	swait.ge [sflag:s16], $0x2800  }
0x2e: {  	[sflag:s16] =	ssyncset.done $0x0  }
0x2f: {  	s18 =	sadd.s32 $0x2710, s18;
	[sflag:s16] =	ssyncadd.s32 $0xFFFFD800  }
0x30: {  	[spmem:s2] =	stream.indirect.scatter.add.f32 [tilespmem:s15], [sflag:$0x2], $0x80, s18, s14, $0xb8;
	[tilespmem:$0x1B620] =	vst v63  }
0x31: {  	_ =	swait.ge [sflag:s12], $0x2800  }
0x32: {  	s17 =	sadd.s32 $0x1, s17;
	[sflag:s12] =	ssyncset.done $0x0  }
0x33: {  	p0 =	sne.s32 s17, s10;
	[sflag:s12] =	ssyncadd.s32 $0xFFFFD800  }
.Ltmp1:
0x34: {  	[bflag:$0x0] =	sbarrier.arrive $0xFFFF;
	(pc) =	sbr.rel @p0 .LBB2_1-.Ltmp1, $4  }
0x35: {  	[hbm:s9], [sflag:s6] =	dma.local [spmem:s11], $0x2800  }
0x36: {  	_ =	swait.ge [sflag:s12], $0x2800  }
0x37: {  	[sflag:s12] =	ssyncset.done $0x0  }
0x38: {  	[sflag:s12] =	ssyncadd.s32 $0xFFFFD800  }
0x39: {  	_ =	sfence.sel $0x180000  }
0x3a: {  	[bflag:$0x0] =	sbarrier.arrive $0xFFFF  }
0x3b: {  	p0 =	sne.s32 s0, $0x0;
	_ =	strace $0x9000004D  }
0x3c: {  	s0 =	sadd.s32 @!p0 $0x100000, s1;
	[bflag:$0x2] =	sbarrier.arrive $0xFFFF  }
0x3d: {  	[sflag:s0] =	ssyncadd.tile.s32 @!p0 $0x1;
	_ =	shalt  }
.Lfunc_end2:
_tile_overlayer_lowered:
.L_overlay_start_2:
0x3e: {  	(tag) =	ssettag $0x2  }
0x3f: {  	s0 =	rddreg [dreg:$0x0];
	s2 =	stileid.u32  }
0x40: {  	s1 =	rddreg [dreg:$0x1];
	p0 =	sne.s32 s2, $0x0  }
0x41: {  	s3 =	rddreg [dreg:$0x2];
	[bflag:$0x3] =	sbarrier.arrive $0xFFFF;
	s2 =	simm.s32 @!p0 $0x1C02  }
0x42: {  	[timem:s3], [sflag:s2] =	dma.local @!p0 [hbm:s0], s1  }
0x43: {  	s0 =	simm.s32 @!p0 $0x2  }
0x44: {  	_ =	swait.ge @!p0 [sflag:s0], s1  }
0x45: {  	s1 =	ssub.s32 @!p0 $0x0, s1;
	[sflag:s0] =	ssyncset.done @!p0 $0x0  }
0x46: {  	[sflag:s0] =	ssyncadd.s32 @!p0 s1  }
0x47: {  	[bflag:$0x3] =	sbarrier.arrive $0xFFFF  }
0x48: {  	_ =	shalt  }

// kernel: kernel.20.cloned.1.call-start
scs
__scs_entry_jumppad:
0x0: {  	(pc) =	sbr.rel $0x88, $3  }
0x1: {  	(tag) =	ssettag $0x0;
	lr =	simm.s32 $0x1  }
0x2: {  	[smem:$0x3F99] =	sst lr;
	_ =	strace $0xD0000000  }
0x3: {  	_ = 	snop  }
0x4: {  	_ = 	snop  }
0x5: {  	_ = 	snop  }
0x6: {  	_ = 	snop  }
0x7: {  	_ = 	snop  }
__scs_overlays_trampoline_lowered:
0x8: {  	[smem:$0x3FA8] =	sst s0  }
0x9: {  	[smem:$0x3FA9] =	sst s1  }
0xa: {  	[smem:$0x3FAA] =	sst s2  }
0xb: {  	[smem:$0x3FAB] =	sst s3  }
0xc: {  	[smem:$0x3FAC] =	sst s4  }
0xd: {  	[smem:$0x3FAD] =	sst s5  }
0xe: {  	[smem:$0x3FAE] =	sst s6  }
0xf: {  	[smem:$0x3FAF] =	sst s7  }
0x10: {  	[smem:$0x3FB0] =	sst s8  }
0x11: {  	[smem:$0x3FB1] =	sst s9;
	s0 =	simm.s32 @!p0 $0x0  }
0x12: {  	s1 =	sld [smem:$0x3F97];
	s0 =	simm.s32 @p0 $0x1  }
0x13: {  	[smem:$0x3FB2] =	sst s0;
	s0 =	simm.s32 @!p1 $0x0  }
0x14: {  	s2 =	sld [smem:$0x3F96];
	s0 =	simm.s32 @p1 $0x1  }
0x15: {  	[smem:$0x3FB3] =	sst s0;
	s0 =	simm.s32 @!p2 $0x0  }
0x16: {  	s3 =	sld [smem:$0x3FDB];
	s0 =	simm.s32 @p2 $0x1  }
0x17: {  	s4 =	simm.s32 $0x1BF5;
	[smem:$0x3FB5] =	sst s0  }
0x18: {  	s0 =	sld [smem:$0x3F98];
	_ =	swait.ge [sflag:s4], $0x0  }
0x19: {  	s7 =	sld [smem:$0x3F99]  }
0x1a: {  	s8 =	sadd.s32 $0xFFFFE003, lr  }
0x1b: {  	s9 =	sadd.s32 $0xFFFFFEF7, lr;
	s5 =	simm.s32 $0xFFFFFFFF;
	p2 =	slt.u32 s8, $0xFFFFF086  }
0x1c: {  	p1 =	slt.u32 s9, $0xF7A;
	s5 =	simm.s32 @!p2 $0x0  }
0x1d: {  	s5 =	simm.s32 @p1 $0x1;
	p0 =	seq.s32 s7, s2  }
0x1e: {  	s7 =	smul.u32 @!p0 $0xF7A, s2;
	p2 =	seq.s32 @!p0 s5, $0x0  }
0x1f: {  	s9 =	smul.u32 $0xF7A, s1;
	s8 =	simm.s32 @!p0 $0x1BF5;
	p2 =	por !p2, p0  }
0x20: {  	[sflag:s8] =	ssyncset.s32 @!p0 $0xFFFFF086;
	s6 =	sadd.s32 @!p0 s3, s7;
	s7 =	simm.s32 @!p0 $0x108  }
0x21: {  	s3 =	sadd.s32 s3, s9;
	s6 =	sadd.s32 @!p0 $0x88, s6;
	s7 =	simm.s32 @p2 $0x1082  }
0x22: {  	[simem:s7], [sflag:s8] =	dma.local @!p0 [hbm:s6], $0xF7A  }
0x23: {  	s9 =	sor.u32 $0xD0000000, s2;
	s6 =	simm.s32 $0x108;
	_ =	swait.ge @!p0 [sflag:s8], $0x0  }
0x24: {  	s3 =	sadd.s32 $0x88, s3;
	s6 =	simm.s32 @!p1 $0x1082;
	[sflag:s4] =	ssyncset.s32 $0xFFFFF086  }
0x25: {  	[simem:s6], [sflag:s4] =	dma.local [hbm:s3], $0xF7A  }
0x26: {  	[smem:$0x3F99] =	sst s1;
	(tag) =	ssettag s2;
	_ =	strace s9  }
0x27: {  	s1 =	sld [smem:$0x3FA9]  }
0x28: {  	s2 =	sld [smem:$0x3FAA]  }
0x29: {  	s4 =	sld [smem:$0x3FAC]  }
0x2a: {  	p0 =	seq.s32 s5, $0x0;
	s5 =	sld [smem:$0x3FAD]  }
0x2b: {  	s6 =	sld [smem:$0x3FAE]  }
0x2c: {  	s7 =	sld [smem:$0x3FAF]  }
0x2d: {  	s3 =	simm.s32 $0x108;
	s8 =	sld [smem:$0x3FB0]  }
0x2e: {  	s3 =	simm.s32 @!p0 $0x1082;
	s9 =	sld [smem:$0x3FB1]  }
0x2f: {  	lr =	sadd.s32 s0, s3;
	s0 =	sld [smem:$0x3FA8]  }
0x30: {  	s3 =	sld [smem:$0x3FAB]  }
0x31: {  	[smem:$0x3FB4] =	sst s10  }
0x32: {  	s10 =	sld [smem:$0x3FB2];
	_ =	sdelay $0x3  }
0x33: {  	p0 =	seq.s32 s10, $0x1;
	s10 =	sld [smem:$0x3FB4];
	_ =	sdelay $0x3  }
0x34: {  	[smem:$0x3FB4] =	sst s10  }
0x35: {  	s10 =	sld [smem:$0x3FB3];
	_ =	sdelay $0x3  }
0x36: {  	p1 =	seq.s32 s10, $0x1;
	s10 =	sld [smem:$0x3FB4];
	_ =	sdelay $0x3  }
0x37: {  	[smem:$0x3FB4] =	sst s10  }
0x38: {  	s10 =	sld [smem:$0x3FB5]  }
0x39: {  	_ = 	snop;
	(pc) =	sbr.ind lr, $3  }
0x3a: {  	_ = 	snop  }
0x3b: {  	_ = 	snop  }
0x3c: {  	p2 =	seq.s32 s10, $0x1;
	s10 =	sld [smem:$0x3FB4]  }
0x3d: {  	_ =	shalt  }
0x3e: {  	_ =	shalt  }
0x3f: {  	_ =	shalt  }
0x40: {  	_ =	shalt  }
0x41: {  	_ =	shalt  }
0x42: {  	_ =	shalt  }
0x43: {  	_ =	shalt  }
0x44: {  	_ =	shalt  }
0x45: {  	_ =	shalt  }
0x46: {  	_ =	shalt  }
0x47: {  	_ =	shalt  }
0x48: {  	_ =	shalt  }
0x49: {  	_ =	shalt  }
0x4a: {  	_ =	shalt  }
0x4b: {  	_ =	shalt  }
0x4c: {  	_ =	shalt  }
0x4d: {  	_ =	shalt  }
0x4e: {  	_ =	shalt  }
0x4f: {  	_ =	shalt  }
0x50: {  	_ =	shalt  }
0x51: {  	_ =	shalt  }
0x52: {  	_ =	shalt  }
0x53: {  	_ =	shalt  }
0x54: {  	_ =	shalt  }
0x55: {  	_ =	shalt  }
0x56: {  	_ =	shalt  }
0x57: {  	_ =	shalt  }
0x58: {  	_ =	shalt  }
0x59: {  	_ =	shalt  }
0x5a: {  	_ =	shalt  }
0x5b: {  	_ =	shalt  }
0x5c: {  	_ =	shalt  }
0x5d: {  	_ =	shalt  }
0x5e: {  	_ =	shalt  }
0x5f: {  	_ =	shalt  }
0x60: {  	_ =	shalt  }
0x61: {  	_ =	shalt  }
0x62: {  	_ =	shalt  }
0x63: {  	_ =	shalt  }
0x64: {  	_ =	shalt  }
0x65: {  	_ =	shalt  }
0x66: {  	_ =	shalt  }
0x67: {  	_ =	shalt  }
0x68: {  	_ =	shalt  }
0x69: {  	_ =	shalt  }
0x6a: {  	_ =	shalt  }
0x6b: {  	_ =	shalt  }
0x6c: {  	_ =	shalt  }
0x6d: {  	_ =	shalt  }
0x6e: {  	_ =	shalt  }
0x6f: {  	_ =	shalt  }
0x70: {  	_ =	shalt  }
0x71: {  	_ =	shalt  }
0x72: {  	_ =	shalt  }
0x73: {  	_ =	shalt  }
0x74: {  	_ =	shalt  }
0x75: {  	_ =	shalt  }
0x76: {  	_ =	shalt  }
0x77: {  	_ =	shalt  }
0x78: {  	_ =	shalt  }
0x79: {  	_ =	shalt  }
0x7a: {  	_ =	shalt  }
0x7b: {  	_ =	shalt  }
0x7c: {  	_ =	shalt  }
0x7d: {  	_ =	shalt  }
0x7e: {  	_ =	shalt  }
0x7f: {  	_ =	shalt  }
0x80: {  	_ =	shalt  }
0x81: {  	_ =	shalt  }
0x82: {  	_ =	shalt  }
0x83: {  	_ =	shalt  }
0x84: {  	_ =	shalt  }
0x85: {  	_ =	shalt  }
0x86: {  	_ =	shalt  }
0x87: {  	_ =	shalt  }
.Lfunc_end0:
.L_simem_size_0:
called_computation.3_lowered:
.L_overlay_start_0:
0x88: {  	s2 =	sld [smem:$0x3FD9]  }
0x89: {  	s3 =	sld [smem:$0x3FFE];
	_ =	sdelay $0x1  }
0x8a: {  	s1 =	srdreg.scid  }
0x8b: {  	s0 =	sand.u32 $0x1, s1  }
0x8c: {  	s17 =	sshll.u32 s0, $0xA;
	s2 =	sadd.s32 s3, s2  }
0x8d: {  	s2 =	sadd.s32 s2, s17  }
0x8e: {  	[smem:$0x3FC0] =	sst s2  }
0x8f: {  	_ = 	snop  }
0x90: {  	s2 =	sld [smem:$0x3FD0];
	(tm) =	ssettm $0x1  }
0x91: {  	s18 =	sld [smem:$0x3FFB];
	_ =	sdelay $0x3  }
0x92: {  	_ =	strace s18  }
0x93: {  	s3 =	sld [smem:$0x3FFC];
	_ =	sdelay $0x3  }
0x94: {  	_ =	strace s3  }
0x95: {  	s3 =	sld [smem:$0x3FFD];
	_ =	sdelay $0x3  }
0x96: {  	_ =	strace s3  }
0x97: {  	_ =	strace $0x8FFFFFFF  }
0x98: {  	s19 =	sld [smem:$0x3FDB];
	_ =	sdelay $0x1  }
0x99: {  	s4 =	simm.s32 $_scs_section_size  }
0x9a: {  	s5 =	simm.s32 $_size__tile_overlayer_lowered;
	s6 =	simm.s32 $_tile_overlayer_lowered  }
0x9b: {  	s22 =	simm.s32 $0x1BFF;
	s21 =	sshll.u32 s6, $0x1;
	s3 =	sadd.s32 s4, s19  }
0x9c: {  	s7 =	simm.s32 $0x0;
	s20 =	sshll.u32 s5, $0x1;
	s5 =	sadd.s32 s21, s3  }
0x9d: {  	[timem:s7], [sflag:s22] =	dma.local [hbm:s5], s20  }
0x9e: {  	_ =	swait.ge [sflag:s22], s20  }
0x9f: {  	s4 =	ssub.s32 $0x0, s20;
	[sflag:s22] =	ssyncset.done $0x0  }
0xa0: {  	[sflag:s22] =	ssyncadd.s32 s4;
	_ =	sdelay $0x1  }
0xa1: {  	s23 =	simm.s32 $0x1B8B  }
0xa2: {  	_ =	swait.ge [sflag:s23], $0x1  }
0xa3: {  	[sflag:s23] =	ssyncset.done $0x0  }
0xa4: {  	s25 =	simm.s32 $0x1B8E;
	s24 =	sld [smem:$0x3FFE];
	[sflag:s23] =	ssyncadd.s32 $0xFFFFFFFF  }
0xa5: {  	s26 =	simm.s32 $execute0_lowered;
	[smem:$0x3FD2] =	sst s25  }
0xa6: {  	s5 =	sshll.u32 s26, $0x1;
	_ =	strace $0x8000004F;
	[dreg:$0x1] =	wrdreg $0xFFFFFFFF  }
0xa7: {  	s28 =	simm.s32 $_size_execute0_lowered;
	s3 =	sadd.s32 s3, s5;
	[dreg:$0x0] =	wrdreg $0x0  }
0xa8: {  	s5 =	sshll.u32 s28, $0x1;
	[dreg:$0x2] =	wrdreg s3  }
0xa9: {  	[dreg:$0x3] =	wrdreg s5  }
0xaa: {  	[dreg:$0x4] =	wrdreg $0xC0  }
0xab: {  	_ =	task [dreg:s7], $0x5FFFF  }
0xac: {  	[dreg:$0x1] =	wrdreg $0xFFFFFFFF  }
0xad: {  	[dreg:$0x0] =	wrdreg $0x60  }
0xae: {  	[dreg:$0x2] =	wrdreg s24  }
0xaf: {  	[dreg:$0x3] =	wrdreg s2  }
0xb0: {  	[dreg:$0x4] =	wrdreg $0x53200  }
0xb1: {  	[dreg:$0x5] =	wrdreg $0x9  }
0xb2: {  	_ =	task.clear_ibuf [dreg:s7], $0x6FFFF;
	_ =	strace $0x9000004F  }
0xb3: {  	s29 =	simm.s32 $0x9;
	_ =	strace $0x80000051  }
0xb4: {  	_ =	swait.ge [sflag:s29], $0x1  }
0xb5: {  	[sflag:s29] =	ssyncadd.s32 $0xFFFFFFFF  }
0xb6: {  	_ =	strace $0x90000051  }
0xb7: {  	_ =	sfence  }
0xb8: {  	s30 =	sld [smem:$0x0];
	_ =	sdelay $0x2  }
0xb9: {  	s31 =	sshll.u32 s1, $0xD;
	s1 =	sshrl.u32 s1, $0x2  }
0xba: {  	s3 =	sand.u32 $0x4000, s31;
	s1 =	sadd.s32 s1, s30  }
0xbb: {  	s0 =	sor.u32 s3, s0;
	s1 =	sshll.u32 s1, $0x11  }
0xbc: {  	s0 =	sor.u32 s1, s0  }
0xbd: {  	s0 =	sadd.s32 $0x8F2B, s0  }
0xbe: {  	[sflag:s0] =	ssyncadd.remote.s32 $0x1  }
0xbf: {  	_ =	sfence.sel $0xFFFF  }
0xc0: {  	[dreg:$0x0] =	wrdreg $0xFFFFFFFF;
	(pc) =	sbr.abs _section_cstart, $3  }
0xc1: {  	[dreg:$0x1] =	wrdreg $0xFFFFFFFF  }
0xc2: {  	_ =	task.clear_ibuf [dreg:s7], $0x2FFFF;
	_ =	strace $0x9FFFFFFF  }
0xc3: {  	(tm) =	ssettm $0x7FFFFFFF  }
tec
execute0_lowered:
.L_overlay_start_1:
0x0: {  	(tag) =	ssettag $0x1  }
0x1: {  	s7 =	rddreg [dreg:$0x0]  }
0x2: {  	s2 =	rddreg [dreg:$0x1]  }
0x3: {  	s0 =	srdreg.scid;
	s3 =	rddreg [dreg:$0x2];
	s4 =	simm.s32 $0x0  }
0x4: {  	s13 =	simm.s32 $0x2710;
	s14 =	simm.s32 $0x50;
	s15 =	simm.s32 $0x4E20  }
0x5: {  	s16 =	simm.s32 $0x1;
	s6 =	sand.u32 $0x1, s0;
	s0 =	stileid.u32  }
0x6: {  	s17 =	simm.s32 $0x0;
	[smem:$0x7FF] =	sst s4;
	s9 =	smul.u32 $0x500, s0  }
0x7: {  	s5 =	sadd.s32 $0x3D600, s7;
	s1 =	sshll.u32 s6, $0x4;
	s10 =	smul.u32 $0x5000, s6  }
0x8: {  	s11 =	smul.u32 $0xA000, s0;
	s6 =	ssub.s32 $0x2, s6;
	s1 =	sor.u32 s0, s1  }
0x9: {  	s31 =	sshll.u32 s0, $0x6;
	s28 =	sshrl.u32 s6, $0x1;
	s8 =	smul.u32 $0x4E2, s1  }
0xa: {  	s1 =	rddreg [dreg:$0x3];
	_ =	strace $0x80000050;
	s9 =	sadd.s32 s9, s10  }
0xb: {  	s29 =	sshrl.u32 s11, $0x2;
	s30 =	ssub.s32 s6, s28;
	s6 =	sor.u32 $0x1C02, s31  }
0xc: {  	s9 =	sadd.s32 s9, s7;
	s12 =	sadd.s32 s29, s3;
	s10 =	smax.u32 s30, $0x1  }
0xd: {  	s8 =	sadd.s32 s8, s7;
	s9 =	sadd.s32 $0x42600, s9;
	s11 =	sshrl.u32 s12, $0x3  }
0xe: {  	s12 =	simm.s32 $0x2;
	s7 =	sadd.s32 $0x2800, s8;
	s8 =	sadd.s32 $0xC600, s8  }
.LBB2_1:
0xf: {  	[spmem:s11], [sflag:s6] =	dma.local [hbm:s2], $0x500  }
0x10: {  	_ =	swait.ge [sflag:s12], $0x500  }
0x11: {  	[sflag:s12] =	ssyncset.done $0x0  }
0x12: {  	[sflag:s12] =	ssyncadd.s32 $0xFFFFFB00  }
0x13: {  	[tilespmem:s4], [sflag:$0x2] =	stream.linear.gather [hbm4b:s7+s4], $0x2710, $0x38;
	[tilespmem:$0x7B20] =	vst v63  }
0x14: {  	_ =	swait.ge [sflag:s12], $0x2710  }
0x15: {  	[sflag:s12] =	ssyncset.done $0x0  }
0x16: {  	[sflag:s12] =	ssyncadd.s32 $0xFFFFD8F0  }
0x17: {  	[tilespmem:s13], [sflag:$0x2] =	stream.linear.gather [hbm4b:s8+s4], $0x2710, $0x38;
	[tilespmem:$0x7B20] =	vst v63  }
0x18: {  	_ =	swait.ge [sflag:s12], $0x2710  }
0x19: {  	[sflag:s12] =	ssyncset.done $0x0  }
0x1a: {  	[sflag:s12] =	ssyncadd.s32 $0xFFFFD8F0  }
0x1b: {  	s18 =	simm.s32 $0x0;
	[bflag:$0x0] =	sbarrier.arrive $0xFFFF  }
0x1c: {  	[tilespmem:s15], [sflag:$0x1] =	stream.indirect.gather [hbm4b:s5+s14], $0x10, s18, s14, $0xb8;
	[tilespmem:$0x7B20] =	vst v63  }
0x1d: {  	_ =	swait.ge [sflag:s16], $0x500  }
0x1e: {  	[sflag:s16] =	ssyncset.done $0x0  }
0x1f: {  	s31 =	simm.s32 $0x2710;
	[sflag:s16] =	ssyncadd.s32 $0xFFFFFB00  }
0x20: {  	[spmem:s3] =	stream.indirect.scatter.add.f32 [tilespmem:s15], [sflag:$0x2], $0x10, s31, s14, $0xb8;
	[tilespmem:$0x7B20] =	vst v63  }
0x21: {  	_ =	swait.ge [sflag:s12], $0x500  }
0x22: {  	s19 =	simm.s32 $0x280;
	s18 =	simm.s32 $0x140;
	[sflag:s12] =	ssyncset.done $0x0  }
.LBB2_2:
0x23: {  	s20 =	sshra.s32 s18, $0x2  }
0x24: {  	[sflag:s12] =	ssyncadd.s32 $0xFFFFFB00;
	s18 =	smov.u32 s19;
	s21 =	sadd.s32 $0x140, s19  }
0x25: {  	[tilespmem:s15], [sflag:$0x1] =	stream.indirect.gather [hbm4b:s5+s14], $0x10, s20, s14, $0xb8;
	[tilespmem:$0x7B20] =	vst v63  }
0x26: {  	p0 =	sne.s32 s19, $0x9B00;
	_ =	swait.ge [sflag:s16], $0x500  }
.Ltmp0:
0x27: {  	[sflag:s16] =	ssyncset.done $0x0;
	(pc) =	sbr.rel @p0 .LBB2_2-.Ltmp0, $4  }
0x28: {  	s19 =	sadd.s32 $0x2710, s20;
	[sflag:s16] =	ssyncadd.s32 $0xFFFFFB00  }
0x29: {  	[spmem:s3] =	stream.indirect.scatter.add.f32 [tilespmem:s15], [sflag:$0x2], $0x10, s19, s14, $0xb8;
	[tilespmem:$0x7B20] =	vst v63  }
0x2a: {  	_ =	swait.ge [sflag:s12], $0x500  }
0x2b: {  	s19 =	smov.u32 s21;
	[sflag:s12] =	ssyncset.done $0x0  }
0x2c: {  	s18 =	sshra.s32 s18, $0x2;
	[sflag:s12] =	ssyncadd.s32 $0xFFFFFB00  }
0x2d: {  	[tilespmem:s15], [sflag:$0x1] =	stream.indirect.gather [hbm4b:s5+s14], $0x10, s18, s14, $0xb8;
	[tilespmem:$0x7B20] =	vst v63  }
0x2e: {  	_ =	swait.ge [sflag:s16], $0x500  }
0x2f: {  	[sflag:s16] =	ssyncset.done $0x0  }
0x30: {  	s18 =	sadd.s32 $0x2710, s18;
	[sflag:s16] =	ssyncadd.s32 $0xFFFFFB00  }
0x31: {  	[spmem:s3] =	stream.indirect.scatter.add.f32 [tilespmem:s15], [sflag:$0x2], $0x10, s18, s14, $0xb8;
	[tilespmem:$0x7B20] =	vst v63  }
0x32: {  	_ =	swait.ge [sflag:s12], $0x500  }
0x33: {  	s17 =	sadd.s32 $0x1, s17;
	[sflag:s12] =	ssyncset.done $0x0  }
0x34: {  	p0 =	sne.s32 s17, s10;
	[sflag:s12] =	ssyncadd.s32 $0xFFFFFB00  }
.Ltmp1:
0x35: {  	[bflag:$0x0] =	sbarrier.arrive $0xFFFF;
	(pc) =	sbr.rel @p0 .LBB2_1-.Ltmp1, $4  }
0x36: {  	[hbm:s9], [sflag:s6] =	dma.local [spmem:s11], $0x500  }
0x37: {  	_ =	swait.ge [sflag:s12], $0x500  }
0x38: {  	[sflag:s12] =	ssyncset.done $0x0  }
0x39: {  	[sflag:s12] =	ssyncadd.s32 $0xFFFFFB00  }
0x3a: {  	_ =	sfence.sel $0x180000  }
0x3b: {  	[bflag:$0x0] =	sbarrier.arrive $0xFFFF  }
0x3c: {  	p0 =	sne.s32 s0, $0x0;
	_ =	strace $0x90000050  }
0x3d: {  	s0 =	sadd.s32 @!p0 $0x100000, s1;
	[bflag:$0x2] =	sbarrier.arrive $0xFFFF  }
0x3e: {  	[sflag:s0] =	ssyncadd.tile.s32 @!p0 $0x1;
	_ =	shalt  }
.Lfunc_end2:
_tile_overlayer_lowered:
.L_overlay_start_2:
0x3f: {  	(tag) =	ssettag $0x2  }
0x40: {  	s0 =	rddreg [dreg:$0x0];
	s2 =	stileid.u32  }
0x41: {  	s1 =	rddreg [dreg:$0x1];
	p0 =	sne.s32 s2, $0x0  }
0x42: {  	s3 =	rddreg [dreg:$0x2];
	[bflag:$0x3] =	sbarrier.arrive $0xFFFF;
	s2 =	simm.s32 @!p0 $0x1C02  }
0x43: {  	[timem:s3], [sflag:s2] =	dma.local @!p0 [hbm:s0], s1  }
0x44: {  	s0 =	simm.s32 @!p0 $0x2  }
0x45: {  	_ =	swait.ge @!p0 [sflag:s0], s1  }
0x46: {  	s1 =	ssub.s32 @!p0 $0x0, s1;
	[sflag:s0] =	ssyncset.done @!p0 $0x0  }
0x47: {  	[sflag:s0] =	ssyncadd.s32 @!p0 s1  }
0x48: {  	[bflag:$0x3] =	sbarrier.arrive $0xFFFF  }
0x49: {  	_ =	shalt  }

</sc_bundles>
